<compile_context>
chip_gen: v7x
topology: tpu7x:2x2x1
jax: 0.10.2.dev20260603
libtpu: 0.0.44.dev20260713+nightly
codegen_flags: <defaults>
</compile_context>

<pallas_src>
import functools

import jax
import jax.numpy as jnp
from jax import lax
from jax.experimental import pallas as pl
from jax.experimental.pallas import tpu as pltpu
from jax.experimental.pallas import tpu_sc as plsc

N = 320000
D = 128
NSEG = 10000

NC = 2
NS = 16
NW = NC * NS
BATCH = 128
NB = N // BATCH
KROWS = 2560
NP = KROWS * BATCH
RPW = KROWS // NW
NBLAST = NB - (NW - 1) * RPW
CH = 4
NCHUNK = RPW // CH
ZCH = 640

_mesh = plsc.VectorSubcoreMesh(core_axis_name="c", subcore_axis_name="s")


@functools.partial(
    pl.kernel,
    mesh=_mesh,
    out_type=jax.ShapeDtypeStruct((NC, NSEG), jnp.float32),
    scratch_types=[
        pltpu.VMEM((RPW, BATCH), jnp.int32),
        pltpu.VMEM((RPW, BATCH), jnp.int32),
        pltpu.VMEM((RPW, BATCH), jnp.float32),
        pltpu.VMEM((ZCH,), jnp.float32),
        pltpu.VMEM_SHARED((NSEG,), jnp.float32),
        pltpu.SemaphoreType.DMA,
        pltpu.SemaphoreType.DMA,
        pltpu.SemaphoreType.DMA,
        pltpu.SemaphoreType.DMA,
    ],
)
def _segsum_sc(src_hbm, idx_hbm, part_hbm,
               idx_v, gidx_v, vbuf, zbuf, acc, semA, semB, isem, ssem):
    c = lax.axis_index("c")
    s = lax.axis_index("s")
    wid = c * NS + s
    row0 = wid * RPW
    last = wid == NW - 1
    nb = jnp.where(last, NBLAST, RPW)

    pltpu.async_copy(idx_hbm.at[pl.ds(row0, RPW)], idx_v, isem)

    iota = lax.iota(jnp.int32, 16)
    b0 = row0 * (BATCH * D)
    lane = iota * D

    def gen(j, carry):
        base = b0 + j * (BATCH * D)
        for m in range(8):
            gidx_v[j, pl.ds(16 * m, 16)] = base + 16 * D * m + lane
        return carry

    def fire_chunk(t, sem):
        for k in range(CH):
            j = t * CH + k

            @pl.when(j < nb)
            def _():
                pltpu.async_copy(src_hbm.at[gidx_v.at[j]], vbuf.at[j], sem)

    def drain_chunk(t, sem):
        for k in range(CH):
            j = t * CH + k

            @pl.when(j < nb)
            def _():
                pltpu.make_async_copy(
                    src_hbm.at[gidx_v.at[j]], vbuf.at[j], sem).wait()

    def scat_chunk(t):
        for k in range(CH):
            j = t * CH + k

            @pl.when(j < nb)
            def _():
                pltpu.async_copy(vbuf.at[j], acc.at[idx_v.at[j]], ssem,
                                 add=True)

    lax.fori_loop(0, RPW, gen, 0)
    fire_chunk(0, semA)

    zv = jnp.zeros((16,), jnp.float32)

    def zstep(i, carry):
        zbuf[pl.ds(16 * i, 16)] = zv
        return carry

    lax.fori_loop(0, ZCH // 16, zstep, 0)

    @pl.when(s < NS - 1)
    def _():
        pltpu.sync_copy(zbuf, acc.at[pl.ds(s * ZCH, ZCH)])

    @pl.when(s == NS - 1)
    def _():
        pltpu.sync_copy(zbuf.at[pl.ds(0, NSEG - (NS - 1) * ZCH)],
                        acc.at[pl.ds((NS - 1) * ZCH, NSEG - (NS - 1) * ZCH)])

    pltpu.make_async_copy(idx_hbm.at[pl.ds(row0, RPW)], idx_v, isem).wait()
    plsc.subcore_barrier()

    def body(u, carry):
        t0 = 2 * u
        fire_chunk(t0 + 1, semB)
        drain_chunk(t0, semA)
        scat_chunk(t0)
        fire_chunk(t0 + 2, semA)
        drain_chunk(t0 + 1, semB)
        scat_chunk(t0 + 1)
        return carry

    lax.fori_loop(0, NCHUNK // 2, body, 0)

    def sdrain(j, carry):
        @pl.when(j < nb)
        def _():
            pltpu.make_async_copy(vbuf.at[j], acc.at[idx_v.at[j]],
                                  ssem).wait()
        return carry

    lax.fori_loop(0, RPW, sdrain, 0)
    plsc.subcore_barrier()

    @pl.when(s == 0)
    def _():
        pltpu.sync_copy(acc, part_hbm.at[c])


def _assemble_body(p_ref, o_ref):
    p = p_ref[...]
    total = p[0] + p[1]
    colid = lax.broadcasted_iota(jnp.int32, (NSEG, D), 1)
    o_ref[...] = jnp.where(colid == 0, total[:, None], 0.0)


_assemble = pl.pallas_call(
    _assemble_body,
    out_shape=jax.ShapeDtypeStruct((NSEG, D), jnp.float32),
)


def kernel(src, index):
    srcf = src.reshape(N * D)
    idx = jnp.pad(index, (0, NP - N)).reshape(KROWS, BATCH)
    part = _segsum_sc(srcf, idx)
    return _assemble(part)

# --- scband reference (transcript-rebuilt; emitter-appended) ---
"""Pipeline reference for scband-atomwise-sum-index-34248069219109 (READ-ONLY COPY).

The authoritative reference and input builder live on the scoring server;
editing this copy changes nothing except your own understanding.
"""

import jax, jax.numpy as jnp
import numpy as np

N = 320000
D = 128
NUM_SEG = 10000

def setup_inputs(seed: int = 0) -> dict:
    key = jax.random.key(seed)
    k1, k2 = jax.random.split(key)
    src = jax.random.normal(k1, (N, D), dtype=jnp.float32)
    index = jnp.sort(jax.random.randint(k2, (N,), 0, NUM_SEG, dtype=jnp.int32))
    # pin the max so dim_size == NUM_SEG deterministically (matches int(index.max())+1)
    index = index.at[-1].set(NUM_SEG - 1)
    return {"src": src, "index": index}

def reference(src, index):
    # Faithful translation of AtomwiseSumIndex.forward:
    # index (1-D) is unsqueezed to (N, 1) and passed to torch scatter_add_(0, index, src).
    # Per torch scatter_add_ semantics with index.size(1)==1, ONLY column j=0 is scattered:
    #   out[index[i, 0], 0] += src[i, 0]; all other output columns remain zero.
    dim_size = NUM_SEG
    out_shape = (dim_size,) + src.shape[1:]
    out = jnp.zeros(out_shape, dtype=src.dtype)
    out = out.at[index, 0].add(src[:, 0])
    return out

if __name__ == "__main__":
    import jax
    _d = setup_inputs()
    print(jax.jit(kernel)(*tuple(_d.values())))

</pallas_src>

<mosaic_0001>
#map = affine_map<(d0, d1) -> (0)>
#map1 = affine_map<(d0, d1) -> (0, 0)>
module attributes {stable_mosaic.version = 14 : i64} {
  func.func @_segsum_sc(%arg0: i32, %arg1: i32, %arg2: memref<40960000xf32, #tpu.memory_space<hbm>>, %arg3: memref<2560x128xi32, #tpu.memory_space<hbm>>, %arg4: memref<2x10000xf32, #tpu.memory_space<hbm>>, %arg5: memref<80x128xi32, #tpu.memory_space<vmem>>, %arg6: memref<80x128xi32, #tpu.memory_space<vmem>>, %arg7: memref<80x128xf32, #tpu.memory_space<vmem>>, %arg8: memref<640xf32, #tpu.memory_space<vmem>>, %arg9: memref<10000xf32, #tpu.memory_space<vmem_shared>>, %arg10: memref<!tpu.dma_semaphore, #tpu.memory_space<semaphore_mem>>, %arg11: memref<!tpu.dma_semaphore, #tpu.memory_space<semaphore_mem>>, %arg12: memref<!tpu.dma_semaphore, #tpu.memory_space<semaphore_mem>>, %arg13: memref<!tpu.dma_semaphore, #tpu.memory_space<semaphore_mem>>) attributes {dimension_semantics = [#tpu.dimension_semantics<core_parallel>, #tpu.dimension_semantics<subcore_parallel>], iteration_bounds = array<i64: 2, 16>, scalar_prefetch = 0 : i64, scratch_operands = 9 : i64, tpu.core_type = #tpu.core_type<sc_vector_subcore>, window_params = [{transform_indices = #map}, {transform_indices = #map1}, {transform_indices = #map1}]} {
    %mul3A = arith.constant 16 : i32
    %mul3A_0 = arith.muli %arg0, %mul3A : i32
    %add3A = arith.addi %mul3A_0, %arg1 : i32
    %mul3A_1 = arith.constant 80 : i32
    %mul3A_2 = arith.muli %add3A, %mul3A_1 : i32
    %eq3A = arith.constant 31 : i32
    %eq3A_3 = arith.cmpi eq, %add3A, %eq3A : i32
    %jit3A = arith.constant 20 : i32
    %jit3A_4 = arith.constant 80 : i32
    %select_n3A = arith.select %eq3A_3, %jit3A, %jit3A_4 : i32
    %dma_start3A = arith.constant 0 : i32
    %dma_start3A_5 = tpu.memref_slice %arg3[%mul3A_2, %dma_start3A] : memref<2560x128xi32, #tpu.memory_space<hbm>> -> memref<80x128xi32, #tpu.memory_space<hbm>>
    %dma_start3A_6 = arith.constant 0 : i32
    %dma_start3A_7 = tpu.memref_slice %arg3[%mul3A_2, %dma_start3A_6] : memref<2560x128xi32, #tpu.memory_space<hbm>> -> memref<80x128xi32, #tpu.memory_space<hbm>>
    tpu.enqueue_dma source(%dma_start3A_7 : memref<80x128xi32, #tpu.memory_space<hbm>>) target(%arg5 : memref<80x128xi32, #tpu.memory_space<vmem>>) target_semaphore(%arg12 : memref<!tpu.dma_semaphore, #tpu.memory_space<semaphore_mem>>)
    %iota3A = tpu.iota {dimensions = array<i32: 0>} : vector<16xi32>
    %mul3A_8 = arith.constant 16384 : i32
    %mul3A_9 = arith.muli %mul3A_2, %mul3A_8 : i32
    %mul3A_10 = arith.constant 128 : i32
    %mul3A_11 = vector.broadcast %mul3A_10 : i32 to vector<16xi32>
    %mul3A_12 = arith.muli %iota3A, %mul3A_11 : vector<16xi32>
    %scan3A = arith.constant 0 : i32
    %scan3A_13 = arith.constant 0 : i32
    %scan3A_14 = arith.constant 80 : i32
    %scan3A_15 = arith.addi %scan3A_13, %scan3A_14 : i32
    %scan3A_16 = arith.constant 1 : i32
    scf.for %scan3A_72 = %scan3A_13 to %scan3A_15 step %scan3A_16  : i32 {
      %mul3A_73 = arith.constant 16384 : i32
      %mul3A_74 = arith.muli %scan3A_72, %mul3A_73 : i32
      %add3A_75 = arith.addi %mul3A_9, %mul3A_74 : i32
      %add3A_76 = arith.constant 0 : i32
      %add3A_77 = arith.addi %add3A_75, %add3A_76 : i32
      %add3A_78 = vector.broadcast %add3A_77 : i32 to vector<16xi32>
      %add3A_79 = arith.addi %add3A_78, %mul3A_12 : vector<16xi32>
      %swap3A = arith.index_cast %scan3A_72 : i32 to index
      %swap3A_80 = arith.constant 0 : index
      %swap3A_81 = tpu.vector_load %arg6[%swap3A, %swap3A_80] {strides = array<i32>} : memref<80x128xi32, #tpu.memory_space<vmem>>, vector<1x16xi32>,
      %swap3A_82 = vector.shape_cast %swap3A_81 : vector<1x16xi32> to vector<16xi32>
      %swap3A_83 = vector.shape_cast %add3A_79 : vector<16xi32> to vector<1x16xi32>
      tpu.vector_store %arg6[%swap3A, %swap3A_80], %swap3A_83 {strides = array<i32>} : memref<80x128xi32, #tpu.memory_space<vmem>>, vector<1x16xi32>,
      %add3A_84 = arith.constant 2048 : i32
      %add3A_85 = arith.addi %add3A_75, %add3A_84 : i32
      %add3A_86 = vector.broadcast %add3A_85 : i32 to vector<16xi32>
      %add3A_87 = arith.addi %add3A_86, %mul3A_12 : vector<16xi32>
      %swap3A_88 = arith.index_cast %scan3A_72 : i32 to index
      %swap3A_89 = arith.constant 16 : index
      %swap3A_90 = tpu.vector_load %arg6[%swap3A_88, %swap3A_89] {strides = array<i32>} : memref<80x128xi32, #tpu.memory_space<vmem>>, vector<1x16xi32>,
      %swap3A_91 = vector.shape_cast %swap3A_90 : vector<1x16xi32> to vector<16xi32>
      %swap3A_92 = vector.shape_cast %add3A_87 : vector<16xi32> to vector<1x16xi32>
      tpu.vector_store %arg6[%swap3A_88, %swap3A_89], %swap3A_92 {strides = array<i32>} : memref<80x128xi32, #tpu.memory_space<vmem>>, vector<1x16xi32>,
      %add3A_93 = arith.constant 4096 : i32
      %add3A_94 = arith.addi %add3A_75, %add3A_93 : i32
      %add3A_95 = vector.broadcast %add3A_94 : i32 to vector<16xi32>
      %add3A_96 = arith.addi %add3A_95, %mul3A_12 : vector<16xi32>
      %swap3A_97 = arith.index_cast %scan3A_72 : i32 to index
      %swap3A_98 = arith.constant 32 : index
      %swap3A_99 = tpu.vector_load %arg6[%swap3A_97, %swap3A_98] {strides = array<i32>} : memref<80x128xi32, #tpu.memory_space<vmem>>, vector<1x16xi32>,
      %swap3A_100 = vector.shape_cast %swap3A_99 : vector<1x16xi32> to vector<16xi32>
      %swap3A_101 = vector.shape_cast %add3A_96 : vector<16xi32> to vector<1x16xi32>
      tpu.vector_store %arg6[%swap3A_97, %swap3A_98], %swap3A_101 {strides = array<i32>} : memref<80x128xi32, #tpu.memory_space<vmem>>, vector<1x16xi32>,
      %add3A_102 = arith.constant 6144 : i32
      %add3A_103 = arith.addi %add3A_75, %add3A_102 : i32
      %add3A_104 = vector.broadcast %add3A_103 : i32 to vector<16xi32>
      %add3A_105 = arith.addi %add3A_104, %mul3A_12 : vector<16xi32>
      %swap3A_106 = arith.index_cast %scan3A_72 : i32 to index
      %swap3A_107 = arith.constant 48 : index
      %swap3A_108 = tpu.vector_load %arg6[%swap3A_106, %swap3A_107] {strides = array<i32>} : memref<80x128xi32, #tpu.memory_space<vmem>>, vector<1x16xi32>,
      %swap3A_109 = vector.shape_cast %swap3A_108 : vector<1x16xi32> to vector<16xi32>
      %swap3A_110 = vector.shape_cast %add3A_105 : vector<16xi32> to vector<1x16xi32>
      tpu.vector_store %arg6[%swap3A_106, %swap3A_107], %swap3A_110 {strides = array<i32>} : memref<80x128xi32, #tpu.memory_space<vmem>>, vector<1x16xi32>,
      %add3A_111 = arith.constant 8192 : i32
      %add3A_112 = arith.addi %add3A_75, %add3A_111 : i32
      %add3A_113 = vector.broadcast %add3A_112 : i32 to vector<16xi32>
      %add3A_114 = arith.addi %add3A_113, %mul3A_12 : vector<16xi32>
      %swap3A_115 = arith.index_cast %scan3A_72 : i32 to index
      %swap3A_116 = arith.constant 64 : index
      %swap3A_117 = tpu.vector_load %arg6[%swap3A_115, %swap3A_116] {strides = array<i32>} : memref<80x128xi32, #tpu.memory_space<vmem>>, vector<1x16xi32>,
      %swap3A_118 = vector.shape_cast %swap3A_117 : vector<1x16xi32> to vector<16xi32>
      %swap3A_119 = vector.shape_cast %add3A_114 : vector<16xi32> to vector<1x16xi32>
      tpu.vector_store %arg6[%swap3A_115, %swap3A_116], %swap3A_119 {strides = array<i32>} : memref<80x128xi32, #tpu.memory_space<vmem>>, vector<1x16xi32>,
      %add3A_120 = arith.constant 10240 : i32
      %add3A_121 = arith.addi %add3A_75, %add3A_120 : i32
      %add3A_122 = vector.broadcast %add3A_121 : i32 to vector<16xi32>
      %add3A_123 = arith.addi %add3A_122, %mul3A_12 : vector<16xi32>
      %swap3A_124 = arith.index_cast %scan3A_72 : i32 to index
      %swap3A_125 = arith.constant 80 : index
      %swap3A_126 = tpu.vector_load %arg6[%swap3A_124, %swap3A_125] {strides = array<i32>} : memref<80x128xi32, #tpu.memory_space<vmem>>, vector<1x16xi32>,
      %swap3A_127 = vector.shape_cast %swap3A_126 : vector<1x16xi32> to vector<16xi32>
      %swap3A_128 = vector.shape_cast %add3A_123 : vector<16xi32> to vector<1x16xi32>
      tpu.vector_store %arg6[%swap3A_124, %swap3A_125], %swap3A_128 {strides = array<i32>} : memref<80x128xi32, #tpu.memory_space<vmem>>, vector<1x16xi32>,
      %add3A_129 = arith.constant 12288 : i32
      %add3A_130 = arith.addi %add3A_75, %add3A_129 : i32
      %add3A_131 = vector.broadcast %add3A_130 : i32 to vector<16xi32>
      %add3A_132 = arith.addi %add3A_131, %mul3A_12 : vector<16xi32>
      %swap3A_133 = arith.index_cast %scan3A_72 : i32 to index
      %swap3A_134 = arith.constant 96 : index
      %swap3A_135 = tpu.vector_load %arg6[%swap3A_133, %swap3A_134] {strides = array<i32>} : memref<80x128xi32, #tpu.memory_space<vmem>>, vector<1x16xi32>,
      %swap3A_136 = vector.shape_cast %swap3A_135 : vector<1x16xi32> to vector<16xi32>
      %swap3A_137 = vector.shape_cast %add3A_132 : vector<16xi32> to vector<1x16xi32>
      tpu.vector_store %arg6[%swap3A_133, %swap3A_134], %swap3A_137 {strides = array<i32>} : memref<80x128xi32, #tpu.memory_space<vmem>>, vector<1x16xi32>,
      %add3A_138 = arith.constant 14336 : i32
      %add3A_139 = arith.addi %add3A_75, %add3A_138 : i32
      %add3A_140 = vector.broadcast %add3A_139 : i32 to vector<16xi32>
      %add3A_141 = arith.addi %add3A_140, %mul3A_12 : vector<16xi32>
      %swap3A_142 = arith.index_cast %scan3A_72 : i32 to index
      %swap3A_143 = arith.constant 112 : index
      %swap3A_144 = tpu.vector_load %arg6[%swap3A_142, %swap3A_143] {strides = array<i32>} : memref<80x128xi32, #tpu.memory_space<vmem>>, vector<1x16xi32>,
      %swap3A_145 = vector.shape_cast %swap3A_144 : vector<1x16xi32> to vector<16xi32>
      %swap3A_146 = vector.shape_cast %add3A_141 : vector<16xi32> to vector<1x16xi32>
      tpu.vector_store %arg6[%swap3A_142, %swap3A_143], %swap3A_146 {strides = array<i32>} : memref<80x128xi32, #tpu.memory_space<vmem>>, vector<1x16xi32>,
    }
    %scan3A_17 = arith.constant 80 : i32
    %gt3A = arith.constant 0 : i32
    %gt3A_18 = arith.cmpi sgt, %select_n3A, %gt3A : i32
    %convert_element_type3A = arith.extui %gt3A_18 : i1 to i32
    %cond3A = arith.constant 0 : i32
    %cond3A_19 = arith.cmpi ne, %convert_element_type3A, %cond3A : i32
    scf.if %cond3A_19 {
      %dma_start3A_72 = arith.constant 0 : i32
      %dma_start3A_73 = arith.constant 0 : i32
      %dma_start3A_74 = arith.constant 0 : i32
      %dma_start3A_75 = tpu.memref_slice %arg7[%dma_start3A_73, %dma_start3A_74] : memref<80x128xf32, #tpu.memory_space<vmem>> -> memref<1x128xf32, #tpu.memory_space<vmem>>
      %dma_start3A_76 = tpu.memref_squeeze %dma_start3A_75 : memref<1x128xf32, #tpu.memory_space<vmem>> -> memref<128xf32, #tpu.memory_space<vmem>>
      %dma_start3A_77 = arith.constant 0 : i32
      %dma_start3A_78 = tpu.memref_slice %arg6[%dma_start3A_72, %dma_start3A_77] : memref<80x128xi32, #tpu.memory_space<vmem>> -> memref<1x128xi32, #tpu.memory_space<vmem>>
      %dma_start3A_79 = tpu.memref_squeeze %dma_start3A_78 : memref<1x128xi32, #tpu.memory_space<vmem>> -> memref<128xi32, #tpu.memory_space<vmem>>
      %dma_start3A_80 = arith.constant 0 : i32
      %dma_start3A_81 = tpu.memref_slice %arg2[%dma_start3A_80] : memref<40960000xf32, #tpu.memory_space<hbm>> -> memref<40960000xf32, #tpu.memory_space<hbm>>
      tpu.enqueue_indirect_dma source(%dma_start3A_81 : memref<40960000xf32, #tpu.memory_space<hbm>>) target(%dma_start3A_76 : memref<128xf32, #tpu.memory_space<vmem>>) offsets(%dma_start3A_79 : memref<128xi32, #tpu.memory_space<vmem>>) semaphore(%arg10 : memref<!tpu.dma_semaphore, #tpu.memory_space<semaphore_mem>>)
    } else {
    }
    %gt3A_20 = arith.constant 1 : i32
    %gt3A_21 = arith.cmpi sgt, %select_n3A, %gt3A_20 : i32
    %convert_element_type3A_22 = arith.extui %gt3A_21 : i1 to i32
    %cond3A_23 = arith.constant 0 : i32
    %cond3A_24 = arith.cmpi ne, %convert_element_type3A_22, %cond3A_23 : i32
    scf.if %cond3A_24 {
      %dma_start3A_72 = arith.constant 1 : i32
      %dma_start3A_73 = arith.constant 1 : i32
      %dma_start3A_74 = arith.constant 0 : i32
      %dma_start3A_75 = tpu.memref_slice %arg7[%dma_start3A_73, %dma_start3A_74] : memref<80x128xf32, #tpu.memory_space<vmem>> -> memref<1x128xf32, #tpu.memory_space<vmem>>
      %dma_start3A_76 = tpu.memref_squeeze %dma_start3A_75 : memref<1x128xf32, #tpu.memory_space<vmem>> -> memref<128xf32, #tpu.memory_space<vmem>>
      %dma_start3A_77 = arith.constant 0 : i32
      %dma_start3A_78 = tpu.memref_slice %arg6[%dma_start3A_72, %dma_start3A_77] : memref<80x128xi32, #tpu.memory_space<vmem>> -> memref<1x128xi32, #tpu.memory_space<vmem>>
      %dma_start3A_79 = tpu.memref_squeeze %dma_start3A_78 : memref<1x128xi32, #tpu.memory_space<vmem>> -> memref<128xi32, #tpu.memory_space<vmem>>
      %dma_start3A_80 = arith.constant 0 : i32
      %dma_start3A_81 = tpu.memref_slice %arg2[%dma_start3A_80] : memref<40960000xf32, #tpu.memory_space<hbm>> -> memref<40960000xf32, #tpu.memory_space<hbm>>
      tpu.enqueue_indirect_dma source(%dma_start3A_81 : memref<40960000xf32, #tpu.memory_space<hbm>>) target(%dma_start3A_76 : memref<128xf32, #tpu.memory_space<vmem>>) offsets(%dma_start3A_79 : memref<128xi32, #tpu.memory_space<vmem>>) semaphore(%arg10 : memref<!tpu.dma_semaphore, #tpu.memory_space<semaphore_mem>>)
    } else {
    }
    %gt3A_25 = arith.constant 2 : i32
    %gt3A_26 = arith.cmpi sgt, %select_n3A, %gt3A_25 : i32
    %convert_element_type3A_27 = arith.extui %gt3A_26 : i1 to i32
    %cond3A_28 = arith.constant 0 : i32
    %cond3A_29 = arith.cmpi ne, %convert_element_type3A_27, %cond3A_28 : i32
    scf.if %cond3A_29 {
      %dma_start3A_72 = arith.constant 2 : i32
      %dma_start3A_73 = arith.constant 2 : i32
      %dma_start3A_74 = arith.constant 0 : i32
      %dma_start3A_75 = tpu.memref_slice %arg7[%dma_start3A_73, %dma_start3A_74] : memref<80x128xf32, #tpu.memory_space<vmem>> -> memref<1x128xf32, #tpu.memory_space<vmem>>
      %dma_start3A_76 = tpu.memref_squeeze %dma_start3A_75 : memref<1x128xf32, #tpu.memory_space<vmem>> -> memref<128xf32, #tpu.memory_space<vmem>>
      %dma_start3A_77 = arith.constant 0 : i32
      %dma_start3A_78 = tpu.memref_slice %arg6[%dma_start3A_72, %dma_start3A_77] : memref<80x128xi32, #tpu.memory_space<vmem>> -> memref<1x128xi32, #tpu.memory_space<vmem>>
      %dma_start3A_79 = tpu.memref_squeeze %dma_start3A_78 : memref<1x128xi32, #tpu.memory_space<vmem>> -> memref<128xi32, #tpu.memory_space<vmem>>
      %dma_start3A_80 = arith.constant 0 : i32
      %dma_start3A_81 = tpu.memref_slice %arg2[%dma_start3A_80] : memref<40960000xf32, #tpu.memory_space<hbm>> -> memref<40960000xf32, #tpu.memory_space<hbm>>
      tpu.enqueue_indirect_dma source(%dma_start3A_81 : memref<40960000xf32, #tpu.memory_space<hbm>>) target(%dma_start3A_76 : memref<128xf32, #tpu.memory_space<vmem>>) offsets(%dma_start3A_79 : memref<128xi32, #tpu.memory_space<vmem>>) semaphore(%arg10 : memref<!tpu.dma_semaphore, #tpu.memory_space<semaphore_mem>>)
    } else {
    }
    %gt3A_30 = arith.constant 3 : i32
    %gt3A_31 = arith.cmpi sgt, %select_n3A, %gt3A_30 : i32
    %convert_element_type3A_32 = arith.extui %gt3A_31 : i1 to i32
    %cond3A_33 = arith.constant 0 : i32
    %cond3A_34 = arith.cmpi ne, %convert_element_type3A_32, %cond3A_33 : i32
    scf.if %cond3A_34 {
      %dma_start3A_72 = arith.constant 3 : i32
      %dma_start3A_73 = arith.constant 3 : i32
      %dma_start3A_74 = arith.constant 0 : i32
      %dma_start3A_75 = tpu.memref_slice %arg7[%dma_start3A_73, %dma_start3A_74] : memref<80x128xf32, #tpu.memory_space<vmem>> -> memref<1x128xf32, #tpu.memory_space<vmem>>
      %dma_start3A_76 = tpu.memref_squeeze %dma_start3A_75 : memref<1x128xf32, #tpu.memory_space<vmem>> -> memref<128xf32, #tpu.memory_space<vmem>>
      %dma_start3A_77 = arith.constant 0 : i32
      %dma_start3A_78 = tpu.memref_slice %arg6[%dma_start3A_72, %dma_start3A_77] : memref<80x128xi32, #tpu.memory_space<vmem>> -> memref<1x128xi32, #tpu.memory_space<vmem>>
      %dma_start3A_79 = tpu.memref_squeeze %dma_start3A_78 : memref<1x128xi32, #tpu.memory_space<vmem>> -> memref<128xi32, #tpu.memory_space<vmem>>
      %dma_start3A_80 = arith.constant 0 : i32
      %dma_start3A_81 = tpu.memref_slice %arg2[%dma_start3A_80] : memref<40960000xf32, #tpu.memory_space<hbm>> -> memref<40960000xf32, #tpu.memory_space<hbm>>
      tpu.enqueue_indirect_dma source(%dma_start3A_81 : memref<40960000xf32, #tpu.memory_space<hbm>>) target(%dma_start3A_76 : memref<128xf32, #tpu.memory_space<vmem>>) offsets(%dma_start3A_79 : memref<128xi32, #tpu.memory_space<vmem>>) semaphore(%arg10 : memref<!tpu.dma_semaphore, #tpu.memory_space<semaphore_mem>>)
    } else {
    }
    %broadcast_in_dim3A = arith.constant 0.000000e+00 : f32
    %broadcast_in_dim3A_35 = vector.broadcast %broadcast_in_dim3A : f32 to vector<16xf32>
    %scan3A_36 = arith.constant 0 : i32
    %scan3A_37 = arith.constant 0 : i32
    %scan3A_38 = arith.constant 40 : i32
    %scan3A_39 = arith.addi %scan3A_37, %scan3A_38 : i32
    %scan3A_40 = arith.constant 1 : i32
    scf.for %scan3A_72 = %scan3A_37 to %scan3A_39 step %scan3A_40  : i32 {
      %mul3A_73 = arith.constant 16 : i32
      %mul3A_74 = arith.muli %mul3A_73, %scan3A_72 : i32
      %swap3A = arith.index_cast %mul3A_74 : i32 to index
      %swap3A_75 = tpu.vector_load %arg8[%swap3A] {strides = array<i32>} : memref<640xf32, #tpu.memory_space<vmem>>, vector<16xf32>,
      %swap3A_76 = vector.shape_cast %swap3A_75 : vector<16xf32> to vector<16xf32>
      %swap3A_77 = vector.shape_cast %broadcast_in_dim3A_35 : vector<16xf32> to vector<16xf32>
      tpu.vector_store %arg8[%swap3A], %swap3A_77 {strides = array<i32>} : memref<640xf32, #tpu.memory_space<vmem>>, vector<16xf32>,
    }
    %scan3A_41 = arith.constant 40 : i32
    %lt3A = arith.constant 15 : i32
    %lt3A_42 = arith.cmpi slt, %arg1, %lt3A : i32
    %convert_element_type3A_43 = arith.extui %lt3A_42 : i1 to i32
    %cond3A_44 = arith.constant 0 : i32
    %cond3A_45 = arith.cmpi ne, %convert_element_type3A_43, %cond3A_44 : i32
    scf.if %cond3A_45 {
      %mul3A_72 = arith.constant 640 : i32
      %mul3A_73 = arith.muli %arg1, %mul3A_72 : i32
      "tpu.region"() ({
        %run_scoped3A = tpu.sem_alloc : memref<!tpu.dma_semaphore, #tpu.memory_space<semaphore_mem>>
        %dma_start3A_74 = tpu.memref_slice %arg9[%mul3A_73] : memref<10000xf32, #tpu.memory_space<vmem_shared>> -> memref<640xf32, #tpu.memory_space<vmem_shared>>
        %dma_start3A_75 = tpu.memref_slice %arg9[%mul3A_73] : memref<10000xf32, #tpu.memory_space<vmem_shared>> -> memref<640xf32, #tpu.memory_space<vmem_shared>>
        tpu.enqueue_dma source(%arg8 : memref<640xf32, #tpu.memory_space<vmem>>) target(%dma_start3A_75 : memref<640xf32, #tpu.memory_space<vmem_shared>>) target_semaphore(%run_scoped3A : memref<!tpu.dma_semaphore, #tpu.memory_space<semaphore_mem>>)
        %dma_wait3A_76 = tpu.memref_slice %arg9[%mul3A_73] : memref<10000xf32, #tpu.memory_space<vmem_shared>> -> memref<640xf32, #tpu.memory_space<vmem_shared>>
        %dma_wait3A_77 = tpu.memref_slice %arg9[%mul3A_73] : memref<10000xf32, #tpu.memory_space<vmem_shared>> -> memref<640xf32, #tpu.memory_space<vmem_shared>>
        tpu.wait_dma2 semaphore(%run_scoped3A : memref<!tpu.dma_semaphore, #tpu.memory_space<semaphore_mem>>) src(%arg8 : memref<640xf32, #tpu.memory_space<vmem>>) dst(%dma_wait3A_77 : memref<640xf32, #tpu.memory_space<vmem_shared>>)
        tpu.yield
      }) : () -> ()
    } else {
    }
    %eq3A_46 = arith.constant 15 : i32
    %eq3A_47 = arith.cmpi eq, %arg1, %eq3A_46 : i32
    %convert_element_type3A_48 = arith.extui %eq3A_47 : i1 to i32
    %cond3A_49 = arith.constant 0 : i32
    %cond3A_50 = arith.cmpi ne, %convert_element_type3A_48, %cond3A_49 : i32
    scf.if %cond3A_50 {
      "tpu.region"() ({
        %run_scoped3A = tpu.sem_alloc : memref<!tpu.dma_semaphore, #tpu.memory_space<semaphore_mem>>
        %dma_start3A_72 = arith.constant 0 : i32
        %dma_start3A_73 = tpu.memref_slice %arg8[%dma_start3A_72] : memref<640xf32, #tpu.memory_space<vmem>> -> memref<400xf32, #tpu.memory_space<vmem>>
        %dma_start3A_74 = arith.constant 9600 : i32
        %dma_start3A_75 = tpu.memref_slice %arg9[%dma_start3A_74] : memref<10000xf32, #tpu.memory_space<vmem_shared>> -> memref<400xf32, #tpu.memory_space<vmem_shared>>
        %dma_start3A_76 = arith.constant 9600 : i32
        %dma_start3A_77 = tpu.memref_slice %arg9[%dma_start3A_76] : memref<10000xf32, #tpu.memory_space<vmem_shared>> -> memref<400xf32, #tpu.memory_space<vmem_shared>>
        %dma_start3A_78 = arith.constant 0 : i32
        %dma_start3A_79 = tpu.memref_slice %arg8[%dma_start3A_78] : memref<640xf32, #tpu.memory_space<vmem>> -> memref<400xf32, #tpu.memory_space<vmem>>
        tpu.enqueue_dma source(%dma_start3A_79 : memref<400xf32, #tpu.memory_space<vmem>>) target(%dma_start3A_77 : memref<400xf32, #tpu.memory_space<vmem_shared>>) target_semaphore(%run_scoped3A : memref<!tpu.dma_semaphore, #tpu.memory_space<semaphore_mem>>)
        %dma_wait3A_80 = arith.constant 0 : i32
        %dma_wait3A_81 = tpu.memref_slice %arg8[%dma_wait3A_80] : memref<640xf32, #tpu.memory_space<vmem>> -> memref<400xf32, #tpu.memory_space<vmem>>
        %dma_wait3A_82 = arith.constant 9600 : i32
        %dma_wait3A_83 = tpu.memref_slice %arg9[%dma_wait3A_82] : memref<10000xf32, #tpu.memory_space<vmem_shared>> -> memref<400xf32, #tpu.memory_space<vmem_shared>>
        %dma_wait3A_84 = arith.constant 9600 : i32
        %dma_wait3A_85 = tpu.memref_slice %arg9[%dma_wait3A_84] : memref<10000xf32, #tpu.memory_space<vmem_shared>> -> memref<400xf32, #tpu.memory_space<vmem_shared>>
        %dma_wait3A_86 = arith.constant 0 : i32
        %dma_wait3A_87 = tpu.memref_slice %arg8[%dma_wait3A_86] : memref<640xf32, #tpu.memory_space<vmem>> -> memref<400xf32, #tpu.memory_space<vmem>>
        tpu.wait_dma2 semaphore(%run_scoped3A : memref<!tpu.dma_semaphore, #tpu.memory_space<semaphore_mem>>) src(%dma_wait3A_87 : memref<400xf32, #tpu.memory_space<vmem>>) dst(%dma_wait3A_85 : memref<400xf32, #tpu.memory_space<vmem_shared>>)
        tpu.yield
      }) : () -> ()
    } else {
    }
    %dma_wait3A = arith.constant 0 : i32
    %dma_wait3A_51 = tpu.memref_slice %arg3[%mul3A_2, %dma_wait3A] : memref<2560x128xi32, #tpu.memory_space<hbm>> -> memref<80x128xi32, #tpu.memory_space<hbm>>
    %dma_wait3A_52 = arith.constant 0 : i32
    %dma_wait3A_53 = tpu.memref_slice %arg3[%mul3A_2, %dma_wait3A_52] : memref<2560x128xi32, #tpu.memory_space<hbm>> -> memref<80x128xi32, #tpu.memory_space<hbm>>
    tpu.wait_dma2 semaphore(%arg12 : memref<!tpu.dma_semaphore, #tpu.memory_space<semaphore_mem>>) src(%dma_wait3A_53 : memref<80x128xi32, #tpu.memory_space<hbm>>) dst(%arg5 : memref<80x128xi32, #tpu.memory_space<vmem>>)
    %barrier3A = arith.constant 0 : index
    tpu.barrier barrier_id(%barrier3A)
    %scan3A_54 = arith.constant 0 : i32
    %scan3A_55 = arith.constant 0 : i32
    %scan3A_56 = arith.constant 10 : i32
    %scan3A_57 = arith.addi %scan3A_55, %scan3A_56 : i32
    %scan3A_58 = arith.constant 1 : i32
    scf.for %scan3A_72 = %scan3A_55 to %scan3A_57 step %scan3A_58  : i32 {
      %mul3A_73 = arith.constant 2 : i32
      %mul3A_74 = arith.muli %mul3A_73, %scan3A_72 : i32
      %add3A_75 = arith.constant 1 : i32
      %add3A_76 = arith.addi %mul3A_74, %add3A_75 : i32
      %mul3A_77 = arith.constant 4 : i32
      %mul3A_78 = arith.muli %add3A_76, %mul3A_77 : i32
      %add3A_79 = arith.constant 0 : i32
      %add3A_80 = arith.addi %mul3A_78, %add3A_79 : i32
      %lt3A_81 = arith.cmpi slt, %add3A_80, %select_n3A : i32
      %convert_element_type3A_82 = arith.extui %lt3A_81 : i1 to i32
      %cond3A_83 = arith.constant 0 : i32
      %cond3A_84 = arith.cmpi ne, %convert_element_type3A_82, %cond3A_83 : i32
      scf.if %cond3A_84 {
        %dma_start3A_275 = arith.constant 0 : i32
        %dma_start3A_276 = tpu.memref_slice %arg7[%add3A_80, %dma_start3A_275] : memref<80x128xf32, #tpu.memory_space<vmem>> -> memref<1x128xf32, #tpu.memory_space<vmem>>
        %dma_start3A_277 = tpu.memref_squeeze %dma_start3A_276 : memref<1x128xf32, #tpu.memory_space<vmem>> -> memref<128xf32, #tpu.memory_space<vmem>>
        %dma_start3A_278 = arith.constant 0 : i32
        %dma_start3A_279 = tpu.memref_slice %arg6[%add3A_80, %dma_start3A_278] : memref<80x128xi32, #tpu.memory_space<vmem>> -> memref<1x128xi32, #tpu.memory_space<vmem>>
        %dma_start3A_280 = tpu.memref_squeeze %dma_start3A_279 : memref<1x128xi32, #tpu.memory_space<vmem>> -> memref<128xi32, #tpu.memory_space<vmem>>
        %dma_start3A_281 = arith.constant 0 : i32
        %dma_start3A_282 = tpu.memref_slice %arg2[%dma_start3A_281] : memref<40960000xf32, #tpu.memory_space<hbm>> -> memref<40960000xf32, #tpu.memory_space<hbm>>
        tpu.enqueue_indirect_dma source(%dma_start3A_282 : memref<40960000xf32, #tpu.memory_space<hbm>>) target(%dma_start3A_277 : memref<128xf32, #tpu.memory_space<vmem>>) offsets(%dma_start3A_280 : memref<128xi32, #tpu.memory_space<vmem>>) semaphore(%arg11 : memref<!tpu.dma_semaphore, #tpu.memory_space<semaphore_mem>>)
      } else {
      }
      %mul3A_85 = arith.constant 4 : i32
      %mul3A_86 = arith.muli %add3A_76, %mul3A_85 : i32
      %add3A_87 = arith.constant 1 : i32
      %add3A_88 = arith.addi %mul3A_86, %add3A_87 : i32
      %lt3A_89 = arith.cmpi slt, %add3A_88, %select_n3A : i32
      %convert_element_type3A_90 = arith.extui %lt3A_89 : i1 to i32
      %cond3A_91 = arith.constant 0 : i32
      %cond3A_92 = arith.cmpi ne, %convert_element_type3A_90, %cond3A_91 : i32
      scf.if %cond3A_92 {
        %dma_start3A_275 = arith.constant 0 : i32
        %dma_start3A_276 = tpu.memref_slice %arg7[%add3A_88, %dma_start3A_275] : memref<80x128xf32, #tpu.memory_space<vmem>> -> memref<1x128xf32, #tpu.memory_space<vmem>>
        %dma_start3A_277 = tpu.memref_squeeze %dma_start3A_276 : memref<1x128xf32, #tpu.memory_space<vmem>> -> memref<128xf32, #tpu.memory_space<vmem>>
        %dma_start3A_278 = arith.constant 0 : i32
        %dma_start3A_279 = tpu.memref_slice %arg6[%add3A_88, %dma_start3A_278] : memref<80x128xi32, #tpu.memory_space<vmem>> -> memref<1x128xi32, #tpu.memory_space<vmem>>
        %dma_start3A_280 = tpu.memref_squeeze %dma_start3A_279 : memref<1x128xi32, #tpu.memory_space<vmem>> -> memref<128xi32, #tpu.memory_space<vmem>>
        %dma_start3A_281 = arith.constant 0 : i32
        %dma_start3A_282 = tpu.memref_slice %arg2[%dma_start3A_281] : memref<40960000xf32, #tpu.memory_space<hbm>> -> memref<40960000xf32, #tpu.memory_space<hbm>>
        tpu.enqueue_indirect_dma source(%dma_start3A_282 : memref<40960000xf32, #tpu.memory_space<hbm>>) target(%dma_start3A_277 : memref<128xf32, #tpu.memory_space<vmem>>) offsets(%dma_start3A_280 : memref<128xi32, #tpu.memory_space<vmem>>) semaphore(%arg11 : memref<!tpu.dma_semaphore, #tpu.memory_space<semaphore_mem>>)
      } else {
      }
      %mul3A_93 = arith.constant 4 : i32
      %mul3A_94 = arith.muli %add3A_76, %mul3A_93 : i32
      %add3A_95 = arith.constant 2 : i32
      %add3A_96 = arith.addi %mul3A_94, %add3A_95 : i32
      %lt3A_97 = arith.cmpi slt, %add3A_96, %select_n3A : i32
      %convert_element_type3A_98 = arith.extui %lt3A_97 : i1 to i32
      %cond3A_99 = arith.constant 0 : i32
      %cond3A_100 = arith.cmpi ne, %convert_element_type3A_98, %cond3A_99 : i32
      scf.if %cond3A_100 {
        %dma_start3A_275 = arith.constant 0 : i32
        %dma_start3A_276 = tpu.memref_slice %arg7[%add3A_96, %dma_start3A_275] : memref<80x128xf32, #tpu.memory_space<vmem>> -> memref<1x128xf32, #tpu.memory_space<vmem>>
        %dma_start3A_277 = tpu.memref_squeeze %dma_start3A_276 : memref<1x128xf32, #tpu.memory_space<vmem>> -> memref<128xf32, #tpu.memory_space<vmem>>
        %dma_start3A_278 = arith.constant 0 : i32
        %dma_start3A_279 = tpu.memref_slice %arg6[%add3A_96, %dma_start3A_278] : memref<80x128xi32, #tpu.memory_space<vmem>> -> memref<1x128xi32, #tpu.memory_space<vmem>>
        %dma_start3A_280 = tpu.memref_squeeze %dma_start3A_279 : memref<1x128xi32, #tpu.memory_space<vmem>> -> memref<128xi32, #tpu.memory_space<vmem>>
        %dma_start3A_281 = arith.constant 0 : i32
        %dma_start3A_282 = tpu.memref_slice %arg2[%dma_start3A_281] : memref<40960000xf32, #tpu.memory_space<hbm>> -> memref<40960000xf32, #tpu.memory_space<hbm>>
        tpu.enqueue_indirect_dma source(%dma_start3A_282 : memref<40960000xf32, #tpu.memory_space<hbm>>) target(%dma_start3A_277 : memref<128xf32, #tpu.memory_space<vmem>>) offsets(%dma_start3A_280 : memref<128xi32, #tpu.memory_space<vmem>>) semaphore(%arg11 : memref<!tpu.dma_semaphore, #tpu.memory_space<semaphore_mem>>)
      } else {
      }
      %mul3A_101 = arith.constant 4 : i32
      %mul3A_102 = arith.muli %add3A_76, %mul3A_101 : i32
      %add3A_103 = arith.constant 3 : i32
      %add3A_104 = arith.addi %mul3A_102, %add3A_103 : i32
      %lt3A_105 = arith.cmpi slt, %add3A_104, %select_n3A : i32
      %convert_element_type3A_106 = arith.extui %lt3A_105 : i1 to i32
      %cond3A_107 = arith.constant 0 : i32
      %cond3A_108 = arith.cmpi ne, %convert_element_type3A_106, %cond3A_107 : i32
      scf.if %cond3A_108 {
        %dma_start3A_275 = arith.constant 0 : i32
        %dma_start3A_276 = tpu.memref_slice %arg7[%add3A_104, %dma_start3A_275] : memref<80x128xf32, #tpu.memory_space<vmem>> -> memref<1x128xf32, #tpu.memory_space<vmem>>
        %dma_start3A_277 = tpu.memref_squeeze %dma_start3A_276 : memref<1x128xf32, #tpu.memory_space<vmem>> -> memref<128xf32, #tpu.memory_space<vmem>>
        %dma_start3A_278 = arith.constant 0 : i32
        %dma_start3A_279 = tpu.memref_slice %arg6[%add3A_104, %dma_start3A_278] : memref<80x128xi32, #tpu.memory_space<vmem>> -> memref<1x128xi32, #tpu.memory_space<vmem>>
        %dma_start3A_280 = tpu.memref_squeeze %dma_start3A_279 : memref<1x128xi32, #tpu.memory_space<vmem>> -> memref<128xi32, #tpu.memory_space<vmem>>
        %dma_start3A_281 = arith.constant 0 : i32
        %dma_start3A_282 = tpu.memref_slice %arg2[%dma_start3A_281] : memref<40960000xf32, #tpu.memory_space<hbm>> -> memref<40960000xf32, #tpu.memory_space<hbm>>
        tpu.enqueue_indirect_dma source(%dma_start3A_282 : memref<40960000xf32, #tpu.memory_space<hbm>>) target(%dma_start3A_277 : memref<128xf32, #tpu.memory_space<vmem>>) offsets(%dma_start3A_280 : memref<128xi32, #tpu.memory_space<vmem>>) semaphore(%arg11 : memref<!tpu.dma_semaphore, #tpu.memory_space<semaphore_mem>>)
      } else {
      }
      %mul3A_109 = arith.constant 4 : i32
      %mul3A_110 = arith.muli %mul3A_74, %mul3A_109 : i32
      %add3A_111 = arith.constant 0 : i32
      %add3A_112 = arith.addi %mul3A_110, %add3A_111 : i32
      %lt3A_113 = arith.cmpi slt, %add3A_112, %select_n3A : i32
      %convert_element_type3A_114 = arith.extui %lt3A_113 : i1 to i32
      %cond3A_115 = arith.constant 0 : i32
      %cond3A_116 = arith.cmpi ne, %convert_element_type3A_114, %cond3A_115 : i32
      scf.if %cond3A_116 {
        %dma_wait3A_275 = arith.constant 0 : i32
        %dma_wait3A_276 = tpu.memref_slice %arg7[%add3A_112, %dma_wait3A_275] : memref<80x128xf32, #tpu.memory_space<vmem>> -> memref<1x128xf32, #tpu.memory_space<vmem>>
        %dma_wait3A_277 = tpu.memref_squeeze %dma_wait3A_276 : memref<1x128xf32, #tpu.memory_space<vmem>> -> memref<128xf32, #tpu.memory_space<vmem>>
        %dma_wait3A_278 = arith.constant 0 : i32
        %dma_wait3A_279 = tpu.memref_slice %arg6[%add3A_112, %dma_wait3A_278] : memref<80x128xi32, #tpu.memory_space<vmem>> -> memref<1x128xi32, #tpu.memory_space<vmem>>
        %dma_wait3A_280 = tpu.memref_squeeze %dma_wait3A_279 : memref<1x128xi32, #tpu.memory_space<vmem>> -> memref<128xi32, #tpu.memory_space<vmem>>
        %dma_wait3A_281 = arith.constant 0 : i32
        %dma_wait3A_282 = tpu.memref_slice %arg2[%dma_wait3A_281] : memref<40960000xf32, #tpu.memory_space<hbm>> -> memref<40960000xf32, #tpu.memory_space<hbm>>
        tpu.wait_indirect_dma semaphore(%arg10 : memref<!tpu.dma_semaphore, #tpu.memory_space<semaphore_mem>>) src(%dma_wait3A_282 : memref<40960000xf32, #tpu.memory_space<hbm>>) dst(%dma_wait3A_277 : memref<128xf32, #tpu.memory_space<vmem>>)
      } else {
      }
      %mul3A_117 = arith.constant 4 : i32
      %mul3A_118 = arith.muli %mul3A_74, %mul3A_117 : i32
      %add3A_119 = arith.constant 1 : i32
      %add3A_120 = arith.addi %mul3A_118, %add3A_119 : i32
      %lt3A_121 = arith.cmpi slt, %add3A_120, %select_n3A : i32
      %convert_element_type3A_122 = arith.extui %lt3A_121 : i1 to i32
      %cond3A_123 = arith.constant 0 : i32
      %cond3A_124 = arith.cmpi ne, %convert_element_type3A_122, %cond3A_123 : i32
      scf.if %cond3A_124 {
        %dma_wait3A_275 = arith.constant 0 : i32
        %dma_wait3A_276 = tpu.memref_slice %arg7[%add3A_120, %dma_wait3A_275] : memref<80x128xf32, #tpu.memory_space<vmem>> -> memref<1x128xf32, #tpu.memory_space<vmem>>
        %dma_wait3A_277 = tpu.memref_squeeze %dma_wait3A_276 : memref<1x128xf32, #tpu.memory_space<vmem>> -> memref<128xf32, #tpu.memory_space<vmem>>
        %dma_wait3A_278 = arith.constant 0 : i32
        %dma_wait3A_279 = tpu.memref_slice %arg6[%add3A_120, %dma_wait3A_278] : memref<80x128xi32, #tpu.memory_space<vmem>> -> memref<1x128xi32, #tpu.memory_space<vmem>>
        %dma_wait3A_280 = tpu.memref_squeeze %dma_wait3A_279 : memref<1x128xi32, #tpu.memory_space<vmem>> -> memref<128xi32, #tpu.memory_space<vmem>>
        %dma_wait3A_281 = arith.constant 0 : i32
        %dma_wait3A_282 = tpu.memref_slice %arg2[%dma_wait3A_281] : memref<40960000xf32, #tpu.memory_space<hbm>> -> memref<40960000xf32, #tpu.memory_space<hbm>>
        tpu.wait_indirect_dma semaphore(%arg10 : memref<!tpu.dma_semaphore, #tpu.memory_space<semaphore_mem>>) src(%dma_wait3A_282 : memref<40960000xf32, #tpu.memory_space<hbm>>) dst(%dma_wait3A_277 : memref<128xf32, #tpu.memory_space<vmem>>)
      } else {
      }
      %mul3A_125 = arith.constant 4 : i32
      %mul3A_126 = arith.muli %mul3A_74, %mul3A_125 : i32
      %add3A_127 = arith.constant 2 : i32
      %add3A_128 = arith.addi %mul3A_126, %add3A_127 : i32
      %lt3A_129 = arith.cmpi slt, %add3A_128, %select_n3A : i32
      %convert_element_type3A_130 = arith.extui %lt3A_129 : i1 to i32
      %cond3A_131 = arith.constant 0 : i32
      %cond3A_132 = arith.cmpi ne, %convert_element_type3A_130, %cond3A_131 : i32
      scf.if %cond3A_132 {
        %dma_wait3A_275 = arith.constant 0 : i32
        %dma_wait3A_276 = tpu.memref_slice %arg7[%add3A_128, %dma_wait3A_275] : memref<80x128xf32, #tpu.memory_space<vmem>> -> memref<1x128xf32, #tpu.memory_space<vmem>>
        %dma_wait3A_277 = tpu.memref_squeeze %dma_wait3A_276 : memref<1x128xf32, #tpu.memory_space<vmem>> -> memref<128xf32, #tpu.memory_space<vmem>>
        %dma_wait3A_278 = arith.constant 0 : i32
        %dma_wait3A_279 = tpu.memref_slice %arg6[%add3A_128, %dma_wait3A_278] : memref<80x128xi32, #tpu.memory_space<vmem>> -> memref<1x128xi32, #tpu.memory_space<vmem>>
        %dma_wait3A_280 = tpu.memref_squeeze %dma_wait3A_279 : memref<1x128xi32, #tpu.memory_space<vmem>> -> memref<128xi32, #tpu.memory_space<vmem>>
        %dma_wait3A_281 = arith.constant 0 : i32
        %dma_wait3A_282 = tpu.memref_slice %arg2[%dma_wait3A_281] : memref<40960000xf32, #tpu.memory_space<hbm>> -> memref<40960000xf32, #tpu.memory_space<hbm>>
        tpu.wait_indirect_dma semaphore(%arg10 : memref<!tpu.dma_semaphore, #tpu.memory_space<semaphore_mem>>) src(%dma_wait3A_282 : memref<40960000xf32, #tpu.memory_space<hbm>>) dst(%dma_wait3A_277 : memref<128xf32, #tpu.memory_space<vmem>>)
      } else {
      }
      %mul3A_133 = arith.constant 4 : i32
      %mul3A_134 = arith.muli %mul3A_74, %mul3A_133 : i32
      %add3A_135 = arith.constant 3 : i32
      %add3A_136 = arith.addi %mul3A_134, %add3A_135 : i32
      %lt3A_137 = arith.cmpi slt, %add3A_136, %select_n3A : i32
      %convert_element_type3A_138 = arith.extui %lt3A_137 : i1 to i32
      %cond3A_139 = arith.constant 0 : i32
      %cond3A_140 = arith.cmpi ne, %convert_element_type3A_138, %cond3A_139 : i32
      scf.if %cond3A_140 {
        %dma_wait3A_275 = arith.constant 0 : i32
        %dma_wait3A_276 = tpu.memref_slice %arg7[%add3A_136, %dma_wait3A_275] : memref<80x128xf32, #tpu.memory_space<vmem>> -> memref<1x128xf32, #tpu.memory_space<vmem>>
        %dma_wait3A_277 = tpu.memref_squeeze %dma_wait3A_276 : memref<1x128xf32, #tpu.memory_space<vmem>> -> memref<128xf32, #tpu.memory_space<vmem>>
        %dma_wait3A_278 = arith.constant 0 : i32
        %dma_wait3A_279 = tpu.memref_slice %arg6[%add3A_136, %dma_wait3A_278] : memref<80x128xi32, #tpu.memory_space<vmem>> -> memref<1x128xi32, #tpu.memory_space<vmem>>
        %dma_wait3A_280 = tpu.memref_squeeze %dma_wait3A_279 : memref<1x128xi32, #tpu.memory_space<vmem>> -> memref<128xi32, #tpu.memory_space<vmem>>
        %dma_wait3A_281 = arith.constant 0 : i32
        %dma_wait3A_282 = tpu.memref_slice %arg2[%dma_wait3A_281] : memref<40960000xf32, #tpu.memory_space<hbm>> -> memref<40960000xf32, #tpu.memory_space<hbm>>
        tpu.wait_indirect_dma semaphore(%arg10 : memref<!tpu.dma_semaphore, #tpu.memory_space<semaphore_mem>>) src(%dma_wait3A_282 : memref<40960000xf32, #tpu.memory_space<hbm>>) dst(%dma_wait3A_277 : memref<128xf32, #tpu.memory_space<vmem>>)
      } else {
      }
      %mul3A_141 = arith.constant 4 : i32
      %mul3A_142 = arith.muli %mul3A_74, %mul3A_141 : i32
      %add3A_143 = arith.constant 0 : i32
      %add3A_144 = arith.addi %mul3A_142, %add3A_143 : i32
      %lt3A_145 = arith.cmpi slt, %add3A_144, %select_n3A : i32
      %convert_element_type3A_146 = arith.extui %lt3A_145 : i1 to i32
      %cond3A_147 = arith.constant 0 : i32
      %cond3A_148 = arith.cmpi ne, %convert_element_type3A_146, %cond3A_147 : i32
      scf.if %cond3A_148 {
        %dma_start3A_275 = arith.constant 0 : i32
        %dma_start3A_276 = tpu.memref_slice %arg7[%add3A_144, %dma_start3A_275] : memref<80x128xf32, #tpu.memory_space<vmem>> -> memref<1x128xf32, #tpu.memory_space<vmem>>
        %dma_start3A_277 = tpu.memref_squeeze %dma_start3A_276 : memref<1x128xf32, #tpu.memory_space<vmem>> -> memref<128xf32, #tpu.memory_space<vmem>>
        %dma_start3A_278 = arith.constant 0 : i32
        %dma_start3A_279 = tpu.memref_slice %arg5[%add3A_144, %dma_start3A_278] : memref<80x128xi32, #tpu.memory_space<vmem>> -> memref<1x128xi32, #tpu.memory_space<vmem>>
        %dma_start3A_280 = tpu.memref_squeeze %dma_start3A_279 : memref<1x128xi32, #tpu.memory_space<vmem>> -> memref<128xi32, #tpu.memory_space<vmem>>
        %dma_start3A_281 = arith.constant 0 : i32
        %dma_start3A_282 = tpu.memref_slice %arg9[%dma_start3A_281] : memref<10000xf32, #tpu.memory_space<vmem_shared>> -> memref<10000xf32, #tpu.memory_space<vmem_shared>>
        tpu.enqueue_indirect_dma source(%dma_start3A_277 : memref<128xf32, #tpu.memory_space<vmem>>) target(%dma_start3A_282 : memref<10000xf32, #tpu.memory_space<vmem_shared>>) offsets(%dma_start3A_280 : memref<128xi32, #tpu.memory_space<vmem>>) semaphore(%arg13 : memref<!tpu.dma_semaphore, #tpu.memory_space<semaphore_mem>>) {add = true}
      } else {
      }
      %mul3A_149 = arith.constant 4 : i32
      %mul3A_150 = arith.muli %mul3A_74, %mul3A_149 : i32
      %add3A_151 = arith.constant 1 : i32
      %add3A_152 = arith.addi %mul3A_150, %add3A_151 : i32
      %lt3A_153 = arith.cmpi slt, %add3A_152, %select_n3A : i32
      %convert_element_type3A_154 = arith.extui %lt3A_153 : i1 to i32
      %cond3A_155 = arith.constant 0 : i32
      %cond3A_156 = arith.cmpi ne, %convert_element_type3A_154, %cond3A_155 : i32
      scf.if %cond3A_156 {
        %dma_start3A_275 = arith.constant 0 : i32
        %dma_start3A_276 = tpu.memref_slice %arg7[%add3A_152, %dma_start3A_275] : memref<80x128xf32, #tpu.memory_space<vmem>> -> memref<1x128xf32, #tpu.memory_space<vmem>>
        %dma_start3A_277 = tpu.memref_squeeze %dma_start3A_276 : memref<1x128xf32, #tpu.memory_space<vmem>> -> memref<128xf32, #tpu.memory_space<vmem>>
        %dma_start3A_278 = arith.constant 0 : i32
        %dma_start3A_279 = tpu.memref_slice %arg5[%add3A_152, %dma_start3A_278] : memref<80x128xi32, #tpu.memory_space<vmem>> -> memref<1x128xi32, #tpu.memory_space<vmem>>
        %dma_start3A_280 = tpu.memref_squeeze %dma_start3A_279 : memref<1x128xi32, #tpu.memory_space<vmem>> -> memref<128xi32, #tpu.memory_space<vmem>>
        %dma_start3A_281 = arith.constant 0 : i32
        %dma_start3A_282 = tpu.memref_slice %arg9[%dma_start3A_281] : memref<10000xf32, #tpu.memory_space<vmem_shared>> -> memref<10000xf32, #tpu.memory_space<vmem_shared>>
        tpu.enqueue_indirect_dma source(%dma_start3A_277 : memref<128xf32, #tpu.memory_space<vmem>>) target(%dma_start3A_282 : memref<10000xf32, #tpu.memory_space<vmem_shared>>) offsets(%dma_start3A_280 : memref<128xi32, #tpu.memory_space<vmem>>) semaphore(%arg13 : memref<!tpu.dma_semaphore, #tpu.memory_space<semaphore_mem>>) {add = true}
      } else {
      }
      %mul3A_157 = arith.constant 4 : i32
      %mul3A_158 = arith.muli %mul3A_74, %mul3A_157 : i32
      %add3A_159 = arith.constant 2 : i32
      %add3A_160 = arith.addi %mul3A_158, %add3A_159 : i32
      %lt3A_161 = arith.cmpi slt, %add3A_160, %select_n3A : i32
      %convert_element_type3A_162 = arith.extui %lt3A_161 : i1 to i32
      %cond3A_163 = arith.constant 0 : i32
      %cond3A_164 = arith.cmpi ne, %convert_element_type3A_162, %cond3A_163 : i32
      scf.if %cond3A_164 {
        %dma_start3A_275 = arith.constant 0 : i32
        %dma_start3A_276 = tpu.memref_slice %arg7[%add3A_160, %dma_start3A_275] : memref<80x128xf32, #tpu.memory_space<vmem>> -> memref<1x128xf32, #tpu.memory_space<vmem>>
        %dma_start3A_277 = tpu.memref_squeeze %dma_start3A_276 : memref<1x128xf32, #tpu.memory_space<vmem>> -> memref<128xf32, #tpu.memory_space<vmem>>
        %dma_start3A_278 = arith.constant 0 : i32
        %dma_start3A_279 = tpu.memref_slice %arg5[%add3A_160, %dma_start3A_278] : memref<80x128xi32, #tpu.memory_space<vmem>> -> memref<1x128xi32, #tpu.memory_space<vmem>>
        %dma_start3A_280 = tpu.memref_squeeze %dma_start3A_279 : memref<1x128xi32, #tpu.memory_space<vmem>> -> memref<128xi32, #tpu.memory_space<vmem>>
        %dma_start3A_281 = arith.constant 0 : i32
        %dma_start3A_282 = tpu.memref_slice %arg9[%dma_start3A_281] : memref<10000xf32, #tpu.memory_space<vmem_shared>> -> memref<10000xf32, #tpu.memory_space<vmem_shared>>
        tpu.enqueue_indirect_dma source(%dma_start3A_277 : memref<128xf32, #tpu.memory_space<vmem>>) target(%dma_start3A_282 : memref<10000xf32, #tpu.memory_space<vmem_shared>>) offsets(%dma_start3A_280 : memref<128xi32, #tpu.memory_space<vmem>>) semaphore(%arg13 : memref<!tpu.dma_semaphore, #tpu.memory_space<semaphore_mem>>) {add = true}
      } else {
      }
      %mul3A_165 = arith.constant 4 : i32
      %mul3A_166 = arith.muli %mul3A_74, %mul3A_165 : i32
      %add3A_167 = arith.constant 3 : i32
      %add3A_168 = arith.addi %mul3A_166, %add3A_167 : i32
      %lt3A_169 = arith.cmpi slt, %add3A_168, %select_n3A : i32
      %convert_element_type3A_170 = arith.extui %lt3A_169 : i1 to i32
      %cond3A_171 = arith.constant 0 : i32
      %cond3A_172 = arith.cmpi ne, %convert_element_type3A_170, %cond3A_171 : i32
      scf.if %cond3A_172 {
        %dma_start3A_275 = arith.constant 0 : i32
        %dma_start3A_276 = tpu.memref_slice %arg7[%add3A_168, %dma_start3A_275] : memref<80x128xf32, #tpu.memory_space<vmem>> -> memref<1x128xf32, #tpu.memory_space<vmem>>
        %dma_start3A_277 = tpu.memref_squeeze %dma_start3A_276 : memref<1x128xf32, #tpu.memory_space<vmem>> -> memref<128xf32, #tpu.memory_space<vmem>>
        %dma_start3A_278 = arith.constant 0 : i32
        %dma_start3A_279 = tpu.memref_slice %arg5[%add3A_168, %dma_start3A_278] : memref<80x128xi32, #tpu.memory_space<vmem>> -> memref<1x128xi32, #tpu.memory_space<vmem>>
        %dma_start3A_280 = tpu.memref_squeeze %dma_start3A_279 : memref<1x128xi32, #tpu.memory_space<vmem>> -> memref<128xi32, #tpu.memory_space<vmem>>
        %dma_start3A_281 = arith.constant 0 : i32
        %dma_start3A_282 = tpu.memref_slice %arg9[%dma_start3A_281] : memref<10000xf32, #tpu.memory_space<vmem_shared>> -> memref<10000xf32, #tpu.memory_space<vmem_shared>>
        tpu.enqueue_indirect_dma source(%dma_start3A_277 : memref<128xf32, #tpu.memory_space<vmem>>) target(%dma_start3A_282 : memref<10000xf32, #tpu.memory_space<vmem_shared>>) offsets(%dma_start3A_280 : memref<128xi32, #tpu.memory_space<vmem>>) semaphore(%arg13 : memref<!tpu.dma_semaphore, #tpu.memory_space<semaphore_mem>>) {add = true}
      } else {
      }
      %add3A_173 = arith.constant 2 : i32
      %add3A_174 = arith.addi %mul3A_74, %add3A_173 : i32
      %mul3A_175 = arith.constant 4 : i32
      %mul3A_176 = arith.muli %add3A_174, %mul3A_175 : i32
      %add3A_177 = arith.constant 0 : i32
      %add3A_178 = arith.addi %mul3A_176, %add3A_177 : i32
      %lt3A_179 = arith.cmpi slt, %add3A_178, %select_n3A : i32
      %convert_element_type3A_180 = arith.extui %lt3A_179 : i1 to i32
      %cond3A_181 = arith.constant 0 : i32
      %cond3A_182 = arith.cmpi ne, %convert_element_type3A_180, %cond3A_181 : i32
      scf.if %cond3A_182 {
        %dma_start3A_275 = arith.constant 0 : i32
        %dma_start3A_276 = tpu.memref_slice %arg7[%add3A_178, %dma_start3A_275] : memref<80x128xf32, #tpu.memory_space<vmem>> -> memref<1x128xf32, #tpu.memory_space<vmem>>
        %dma_start3A_277 = tpu.memref_squeeze %dma_start3A_276 : memref<1x128xf32, #tpu.memory_space<vmem>> -> memref<128xf32, #tpu.memory_space<vmem>>
        %dma_start3A_278 = arith.constant 0 : i32
        %dma_start3A_279 = tpu.memref_slice %arg6[%add3A_178, %dma_start3A_278] : memref<80x128xi32, #tpu.memory_space<vmem>> -> memref<1x128xi32, #tpu.memory_space<vmem>>
        %dma_start3A_280 = tpu.memref_squeeze %dma_start3A_279 : memref<1x128xi32, #tpu.memory_space<vmem>> -> memref<128xi32, #tpu.memory_space<vmem>>
        %dma_start3A_281 = arith.constant 0 : i32
        %dma_start3A_282 = tpu.memref_slice %arg2[%dma_start3A_281] : memref<40960000xf32, #tpu.memory_space<hbm>> -> memref<40960000xf32, #tpu.memory_space<hbm>>
        tpu.enqueue_indirect_dma source(%dma_start3A_282 : memref<40960000xf32, #tpu.memory_space<hbm>>) target(%dma_start3A_277 : memref<128xf32, #tpu.memory_space<vmem>>) offsets(%dma_start3A_280 : memref<128xi32, #tpu.memory_space<vmem>>) semaphore(%arg10 : memref<!tpu.dma_semaphore, #tpu.memory_space<semaphore_mem>>)
      } else {
      }
      %mul3A_183 = arith.constant 4 : i32
      %mul3A_184 = arith.muli %add3A_174, %mul3A_183 : i32
      %add3A_185 = arith.constant 1 : i32
      %add3A_186 = arith.addi %mul3A_184, %add3A_185 : i32
      %lt3A_187 = arith.cmpi slt, %add3A_186, %select_n3A : i32
      %convert_element_type3A_188 = arith.extui %lt3A_187 : i1 to i32
      %cond3A_189 = arith.constant 0 : i32
      %cond3A_190 = arith.cmpi ne, %convert_element_type3A_188, %cond3A_189 : i32
      scf.if %cond3A_190 {
        %dma_start3A_275 = arith.constant 0 : i32
        %dma_start3A_276 = tpu.memref_slice %arg7[%add3A_186, %dma_start3A_275] : memref<80x128xf32, #tpu.memory_space<vmem>> -> memref<1x128xf32, #tpu.memory_space<vmem>>
        %dma_start3A_277 = tpu.memref_squeeze %dma_start3A_276 : memref<1x128xf32, #tpu.memory_space<vmem>> -> memref<128xf32, #tpu.memory_space<vmem>>
        %dma_start3A_278 = arith.constant 0 : i32
        %dma_start3A_279 = tpu.memref_slice %arg6[%add3A_186, %dma_start3A_278] : memref<80x128xi32, #tpu.memory_space<vmem>> -> memref<1x128xi32, #tpu.memory_space<vmem>>
        %dma_start3A_280 = tpu.memref_squeeze %dma_start3A_279 : memref<1x128xi32, #tpu.memory_space<vmem>> -> memref<128xi32, #tpu.memory_space<vmem>>
        %dma_start3A_281 = arith.constant 0 : i32
        %dma_start3A_282 = tpu.memref_slice %arg2[%dma_start3A_281] : memref<40960000xf32, #tpu.memory_space<hbm>> -> memref<40960000xf32, #tpu.memory_space<hbm>>
        tpu.enqueue_indirect_dma source(%dma_start3A_282 : memref<40960000xf32, #tpu.memory_space<hbm>>) target(%dma_start3A_277 : memref<128xf32, #tpu.memory_space<vmem>>) offsets(%dma_start3A_280 : memref<128xi32, #tpu.memory_space<vmem>>) semaphore(%arg10 : memref<!tpu.dma_semaphore, #tpu.memory_space<semaphore_mem>>)
      } else {
      }
      %mul3A_191 = arith.constant 4 : i32
      %mul3A_192 = arith.muli %add3A_174, %mul3A_191 : i32
      %add3A_193 = arith.constant 2 : i32
      %add3A_194 = arith.addi %mul3A_192, %add3A_193 : i32
      %lt3A_195 = arith.cmpi slt, %add3A_194, %select_n3A : i32
      %convert_element_type3A_196 = arith.extui %lt3A_195 : i1 to i32
      %cond3A_197 = arith.constant 0 : i32
      %cond3A_198 = arith.cmpi ne, %convert_element_type3A_196, %cond3A_197 : i32
      scf.if %cond3A_198 {
        %dma_start3A_275 = arith.constant 0 : i32
        %dma_start3A_276 = tpu.memref_slice %arg7[%add3A_194, %dma_start3A_275] : memref<80x128xf32, #tpu.memory_space<vmem>> -> memref<1x128xf32, #tpu.memory_space<vmem>>
        %dma_start3A_277 = tpu.memref_squeeze %dma_start3A_276 : memref<1x128xf32, #tpu.memory_space<vmem>> -> memref<128xf32, #tpu.memory_space<vmem>>
        %dma_start3A_278 = arith.constant 0 : i32
        %dma_start3A_279 = tpu.memref_slice %arg6[%add3A_194, %dma_start3A_278] : memref<80x128xi32, #tpu.memory_space<vmem>> -> memref<1x128xi32, #tpu.memory_space<vmem>>
        %dma_start3A_280 = tpu.memref_squeeze %dma_start3A_279 : memref<1x128xi32, #tpu.memory_space<vmem>> -> memref<128xi32, #tpu.memory_space<vmem>>
        %dma_start3A_281 = arith.constant 0 : i32
        %dma_start3A_282 = tpu.memref_slice %arg2[%dma_start3A_281] : memref<40960000xf32, #tpu.memory_space<hbm>> -> memref<40960000xf32, #tpu.memory_space<hbm>>
        tpu.enqueue_indirect_dma source(%dma_start3A_282 : memref<40960000xf32, #tpu.memory_space<hbm>>) target(%dma_start3A_277 : memref<128xf32, #tpu.memory_space<vmem>>) offsets(%dma_start3A_280 : memref<128xi32, #tpu.memory_space<vmem>>) semaphore(%arg10 : memref<!tpu.dma_semaphore, #tpu.memory_space<semaphore_mem>>)
      } else {
      }
      %mul3A_199 = arith.constant 4 : i32
      %mul3A_200 = arith.muli %add3A_174, %mul3A_199 : i32
      %add3A_201 = arith.constant 3 : i32
      %add3A_202 = arith.addi %mul3A_200, %add3A_201 : i32
      %lt3A_203 = arith.cmpi slt, %add3A_202, %select_n3A : i32
      %convert_element_type3A_204 = arith.extui %lt3A_203 : i1 to i32
      %cond3A_205 = arith.constant 0 : i32
      %cond3A_206 = arith.cmpi ne, %convert_element_type3A_204, %cond3A_205 : i32
      scf.if %cond3A_206 {
        %dma_start3A_275 = arith.constant 0 : i32
        %dma_start3A_276 = tpu.memref_slice %arg7[%add3A_202, %dma_start3A_275] : memref<80x128xf32, #tpu.memory_space<vmem>> -> memref<1x128xf32, #tpu.memory_space<vmem>>
        %dma_start3A_277 = tpu.memref_squeeze %dma_start3A_276 : memref<1x128xf32, #tpu.memory_space<vmem>> -> memref<128xf32, #tpu.memory_space<vmem>>
        %dma_start3A_278 = arith.constant 0 : i32
        %dma_start3A_279 = tpu.memref_slice %arg6[%add3A_202, %dma_start3A_278] : memref<80x128xi32, #tpu.memory_space<vmem>> -> memref<1x128xi32, #tpu.memory_space<vmem>>
        %dma_start3A_280 = tpu.memref_squeeze %dma_start3A_279 : memref<1x128xi32, #tpu.memory_space<vmem>> -> memref<128xi32, #tpu.memory_space<vmem>>
        %dma_start3A_281 = arith.constant 0 : i32
        %dma_start3A_282 = tpu.memref_slice %arg2[%dma_start3A_281] : memref<40960000xf32, #tpu.memory_space<hbm>> -> memref<40960000xf32, #tpu.memory_space<hbm>>
        tpu.enqueue_indirect_dma source(%dma_start3A_282 : memref<40960000xf32, #tpu.memory_space<hbm>>) target(%dma_start3A_277 : memref<128xf32, #tpu.memory_space<vmem>>) offsets(%dma_start3A_280 : memref<128xi32, #tpu.memory_space<vmem>>) semaphore(%arg10 : memref<!tpu.dma_semaphore, #tpu.memory_space<semaphore_mem>>)
      } else {
      }
      %add3A_207 = arith.constant 1 : i32
      %add3A_208 = arith.addi %mul3A_74, %add3A_207 : i32
      %mul3A_209 = arith.constant 4 : i32
      %mul3A_210 = arith.muli %add3A_208, %mul3A_209 : i32
      %add3A_211 = arith.constant 0 : i32
      %add3A_212 = arith.addi %mul3A_210, %add3A_211 : i32
      %lt3A_213 = arith.cmpi slt, %add3A_212, %select_n3A : i32
      %convert_element_type3A_214 = arith.extui %lt3A_213 : i1 to i32
      %cond3A_215 = arith.constant 0 : i32
      %cond3A_216 = arith.cmpi ne, %convert_element_type3A_214, %cond3A_215 : i32
      scf.if %cond3A_216 {
        %dma_wait3A_275 = arith.constant 0 : i32
        %dma_wait3A_276 = tpu.memref_slice %arg7[%add3A_212, %dma_wait3A_275] : memref<80x128xf32, #tpu.memory_space<vmem>> -> memref<1x128xf32, #tpu.memory_space<vmem>>
        %dma_wait3A_277 = tpu.memref_squeeze %dma_wait3A_276 : memref<1x128xf32, #tpu.memory_space<vmem>> -> memref<128xf32, #tpu.memory_space<vmem>>
        %dma_wait3A_278 = arith.constant 0 : i32
        %dma_wait3A_279 = tpu.memref_slice %arg6[%add3A_212, %dma_wait3A_278] : memref<80x128xi32, #tpu.memory_space<vmem>> -> memref<1x128xi32, #tpu.memory_space<vmem>>
        %dma_wait3A_280 = tpu.memref_squeeze %dma_wait3A_279 : memref<1x128xi32, #tpu.memory_space<vmem>> -> memref<128xi32, #tpu.memory_space<vmem>>
        %dma_wait3A_281 = arith.constant 0 : i32
        %dma_wait3A_282 = tpu.memref_slice %arg2[%dma_wait3A_281] : memref<40960000xf32, #tpu.memory_space<hbm>> -> memref<40960000xf32, #tpu.memory_space<hbm>>
        tpu.wait_indirect_dma semaphore(%arg11 : memref<!tpu.dma_semaphore, #tpu.memory_space<semaphore_mem>>) src(%dma_wait3A_282 : memref<40960000xf32, #tpu.memory_space<hbm>>) dst(%dma_wait3A_277 : memref<128xf32, #tpu.memory_space<vmem>>)
      } else {
      }
      %mul3A_217 = arith.constant 4 : i32
      %mul3A_218 = arith.muli %add3A_208, %mul3A_217 : i32
      %add3A_219 = arith.constant 1 : i32
      %add3A_220 = arith.addi %mul3A_218, %add3A_219 : i32
      %lt3A_221 = arith.cmpi slt, %add3A_220, %select_n3A : i32
      %convert_element_type3A_222 = arith.extui %lt3A_221 : i1 to i32
      %cond3A_223 = arith.constant 0 : i32
      %cond3A_224 = arith.cmpi ne, %convert_element_type3A_222, %cond3A_223 : i32
      scf.if %cond3A_224 {
        %dma_wait3A_275 = arith.constant 0 : i32
        %dma_wait3A_276 = tpu.memref_slice %arg7[%add3A_220, %dma_wait3A_275] : memref<80x128xf32, #tpu.memory_space<vmem>> -> memref<1x128xf32, #tpu.memory_space<vmem>>
        %dma_wait3A_277 = tpu.memref_squeeze %dma_wait3A_276 : memref<1x128xf32, #tpu.memory_space<vmem>> -> memref<128xf32, #tpu.memory_space<vmem>>
        %dma_wait3A_278 = arith.constant 0 : i32
        %dma_wait3A_279 = tpu.memref_slice %arg6[%add3A_220, %dma_wait3A_278] : memref<80x128xi32, #tpu.memory_space<vmem>> -> memref<1x128xi32, #tpu.memory_space<vmem>>
        %dma_wait3A_280 = tpu.memref_squeeze %dma_wait3A_279 : memref<1x128xi32, #tpu.memory_space<vmem>> -> memref<128xi32, #tpu.memory_space<vmem>>
        %dma_wait3A_281 = arith.constant 0 : i32
        %dma_wait3A_282 = tpu.memref_slice %arg2[%dma_wait3A_281] : memref<40960000xf32, #tpu.memory_space<hbm>> -> memref<40960000xf32, #tpu.memory_space<hbm>>
        tpu.wait_indirect_dma semaphore(%arg11 : memref<!tpu.dma_semaphore, #tpu.memory_space<semaphore_mem>>) src(%dma_wait3A_282 : memref<40960000xf32, #tpu.memory_space<hbm>>) dst(%dma_wait3A_277 : memref<128xf32, #tpu.memory_space<vmem>>)
      } else {
      }
      %mul3A_225 = arith.constant 4 : i32
      %mul3A_226 = arith.muli %add3A_208, %mul3A_225 : i32
      %add3A_227 = arith.constant 2 : i32
      %add3A_228 = arith.addi %mul3A_226, %add3A_227 : i32
      %lt3A_229 = arith.cmpi slt, %add3A_228, %select_n3A : i32
      %convert_element_type3A_230 = arith.extui %lt3A_229 : i1 to i32
      %cond3A_231 = arith.constant 0 : i32
      %cond3A_232 = arith.cmpi ne, %convert_element_type3A_230, %cond3A_231 : i32
      scf.if %cond3A_232 {
        %dma_wait3A_275 = arith.constant 0 : i32
        %dma_wait3A_276 = tpu.memref_slice %arg7[%add3A_228, %dma_wait3A_275] : memref<80x128xf32, #tpu.memory_space<vmem>> -> memref<1x128xf32, #tpu.memory_space<vmem>>
        %dma_wait3A_277 = tpu.memref_squeeze %dma_wait3A_276 : memref<1x128xf32, #tpu.memory_space<vmem>> -> memref<128xf32, #tpu.memory_space<vmem>>
        %dma_wait3A_278 = arith.constant 0 : i32
        %dma_wait3A_279 = tpu.memref_slice %arg6[%add3A_228, %dma_wait3A_278] : memref<80x128xi32, #tpu.memory_space<vmem>> -> memref<1x128xi32, #tpu.memory_space<vmem>>
        %dma_wait3A_280 = tpu.memref_squeeze %dma_wait3A_279 : memref<1x128xi32, #tpu.memory_space<vmem>> -> memref<128xi32, #tpu.memory_space<vmem>>
        %dma_wait3A_281 = arith.constant 0 : i32
        %dma_wait3A_282 = tpu.memref_slice %arg2[%dma_wait3A_281] : memref<40960000xf32, #tpu.memory_space<hbm>> -> memref<40960000xf32, #tpu.memory_space<hbm>>
        tpu.wait_indirect_dma semaphore(%arg11 : memref<!tpu.dma_semaphore, #tpu.memory_space<semaphore_mem>>) src(%dma_wait3A_282 : memref<40960000xf32, #tpu.memory_space<hbm>>) dst(%dma_wait3A_277 : memref<128xf32, #tpu.memory_space<vmem>>)
      } else {
      }
      %mul3A_233 = arith.constant 4 : i32
      %mul3A_234 = arith.muli %add3A_208, %mul3A_233 : i32
      %add3A_235 = arith.constant 3 : i32
      %add3A_236 = arith.addi %mul3A_234, %add3A_235 : i32
      %lt3A_237 = arith.cmpi slt, %add3A_236, %select_n3A : i32
      %convert_element_type3A_238 = arith.extui %lt3A_237 : i1 to i32
      %cond3A_239 = arith.constant 0 : i32
      %cond3A_240 = arith.cmpi ne, %convert_element_type3A_238, %cond3A_239 : i32
      scf.if %cond3A_240 {
        %dma_wait3A_275 = arith.constant 0 : i32
        %dma_wait3A_276 = tpu.memref_slice %arg7[%add3A_236, %dma_wait3A_275] : memref<80x128xf32, #tpu.memory_space<vmem>> -> memref<1x128xf32, #tpu.memory_space<vmem>>
        %dma_wait3A_277 = tpu.memref_squeeze %dma_wait3A_276 : memref<1x128xf32, #tpu.memory_space<vmem>> -> memref<128xf32, #tpu.memory_space<vmem>>
        %dma_wait3A_278 = arith.constant 0 : i32
        %dma_wait3A_279 = tpu.memref_slice %arg6[%add3A_236, %dma_wait3A_278] : memref<80x128xi32, #tpu.memory_space<vmem>> -> memref<1x128xi32, #tpu.memory_space<vmem>>
        %dma_wait3A_280 = tpu.memref_squeeze %dma_wait3A_279 : memref<1x128xi32, #tpu.memory_space<vmem>> -> memref<128xi32, #tpu.memory_space<vmem>>
        %dma_wait3A_281 = arith.constant 0 : i32
        %dma_wait3A_282 = tpu.memref_slice %arg2[%dma_wait3A_281] : memref<40960000xf32, #tpu.memory_space<hbm>> -> memref<40960000xf32, #tpu.memory_space<hbm>>
        tpu.wait_indirect_dma semaphore(%arg11 : memref<!tpu.dma_semaphore, #tpu.memory_space<semaphore_mem>>) src(%dma_wait3A_282 : memref<40960000xf32, #tpu.memory_space<hbm>>) dst(%dma_wait3A_277 : memref<128xf32, #tpu.memory_space<vmem>>)
      } else {
      }
      %add3A_241 = arith.constant 1 : i32
      %add3A_242 = arith.addi %mul3A_74, %add3A_241 : i32
      %mul3A_243 = arith.constant 4 : i32
      %mul3A_244 = arith.muli %add3A_242, %mul3A_243 : i32
      %add3A_245 = arith.constant 0 : i32
      %add3A_246 = arith.addi %mul3A_244, %add3A_245 : i32
      %lt3A_247 = arith.cmpi slt, %add3A_246, %select_n3A : i32
      %convert_element_type3A_248 = arith.extui %lt3A_247 : i1 to i32
      %cond3A_249 = arith.constant 0 : i32
      %cond3A_250 = arith.cmpi ne, %convert_element_type3A_248, %cond3A_249 : i32
      scf.if %cond3A_250 {
        %dma_start3A_275 = arith.constant 0 : i32
        %dma_start3A_276 = tpu.memref_slice %arg7[%add3A_246, %dma_start3A_275] : memref<80x128xf32, #tpu.memory_space<vmem>> -> memref<1x128xf32, #tpu.memory_space<vmem>>
        %dma_start3A_277 = tpu.memref_squeeze %dma_start3A_276 : memref<1x128xf32, #tpu.memory_space<vmem>> -> memref<128xf32, #tpu.memory_space<vmem>>
        %dma_start3A_278 = arith.constant 0 : i32
        %dma_start3A_279 = tpu.memref_slice %arg5[%add3A_246, %dma_start3A_278] : memref<80x128xi32, #tpu.memory_space<vmem>> -> memref<1x128xi32, #tpu.memory_space<vmem>>
        %dma_start3A_280 = tpu.memref_squeeze %dma_start3A_279 : memref<1x128xi32, #tpu.memory_space<vmem>> -> memref<128xi32, #tpu.memory_space<vmem>>
        %dma_start3A_281 = arith.constant 0 : i32
        %dma_start3A_282 = tpu.memref_slice %arg9[%dma_start3A_281] : memref<10000xf32, #tpu.memory_space<vmem_shared>> -> memref<10000xf32, #tpu.memory_space<vmem_shared>>
        tpu.enqueue_indirect_dma source(%dma_start3A_277 : memref<128xf32, #tpu.memory_space<vmem>>) target(%dma_start3A_282 : memref<10000xf32, #tpu.memory_space<vmem_shared>>) offsets(%dma_start3A_280 : memref<128xi32, #tpu.memory_space<vmem>>) semaphore(%arg13 : memref<!tpu.dma_semaphore, #tpu.memory_space<semaphore_mem>>) {add = true}
      } else {
      }
      %mul3A_251 = arith.constant 4 : i32
      %mul3A_252 = arith.muli %add3A_242, %mul3A_251 : i32
      %add3A_253 = arith.constant 1 : i32
      %add3A_254 = arith.addi %mul3A_252, %add3A_253 : i32
      %lt3A_255 = arith.cmpi slt, %add3A_254, %select_n3A : i32
      %convert_element_type3A_256 = arith.extui %lt3A_255 : i1 to i32
      %cond3A_257 = arith.constant 0 : i32
      %cond3A_258 = arith.cmpi ne, %convert_element_type3A_256, %cond3A_257 : i32
      scf.if %cond3A_258 {
        %dma_start3A_275 = arith.constant 0 : i32
        %dma_start3A_276 = tpu.memref_slice %arg7[%add3A_254, %dma_start3A_275] : memref<80x128xf32, #tpu.memory_space<vmem>> -> memref<1x128xf32, #tpu.memory_space<vmem>>
        %dma_start3A_277 = tpu.memref_squeeze %dma_start3A_276 : memref<1x128xf32, #tpu.memory_space<vmem>> -> memref<128xf32, #tpu.memory_space<vmem>>
        %dma_start3A_278 = arith.constant 0 : i32
        %dma_start3A_279 = tpu.memref_slice %arg5[%add3A_254, %dma_start3A_278] : memref<80x128xi32, #tpu.memory_space<vmem>> -> memref<1x128xi32, #tpu.memory_space<vmem>>
        %dma_start3A_280 = tpu.memref_squeeze %dma_start3A_279 : memref<1x128xi32, #tpu.memory_space<vmem>> -> memref<128xi32, #tpu.memory_space<vmem>>
        %dma_start3A_281 = arith.constant 0 : i32
        %dma_start3A_282 = tpu.memref_slice %arg9[%dma_start3A_281] : memref<10000xf32, #tpu.memory_space<vmem_shared>> -> memref<10000xf32, #tpu.memory_space<vmem_shared>>
        tpu.enqueue_indirect_dma source(%dma_start3A_277 : memref<128xf32, #tpu.memory_space<vmem>>) target(%dma_start3A_282 : memref<10000xf32, #tpu.memory_space<vmem_shared>>) offsets(%dma_start3A_280 : memref<128xi32, #tpu.memory_space<vmem>>) semaphore(%arg13 : memref<!tpu.dma_semaphore, #tpu.memory_space<semaphore_mem>>) {add = true}
      } else {
      }
      %mul3A_259 = arith.constant 4 : i32
      %mul3A_260 = arith.muli %add3A_242, %mul3A_259 : i32
      %add3A_261 = arith.constant 2 : i32
      %add3A_262 = arith.addi %mul3A_260, %add3A_261 : i32
      %lt3A_263 = arith.cmpi slt, %add3A_262, %select_n3A : i32
      %convert_element_type3A_264 = arith.extui %lt3A_263 : i1 to i32
      %cond3A_265 = arith.constant 0 : i32
      %cond3A_266 = arith.cmpi ne, %convert_element_type3A_264, %cond3A_265 : i32
      scf.if %cond3A_266 {
        %dma_start3A_275 = arith.constant 0 : i32
        %dma_start3A_276 = tpu.memref_slice %arg7[%add3A_262, %dma_start3A_275] : memref<80x128xf32, #tpu.memory_space<vmem>> -> memref<1x128xf32, #tpu.memory_space<vmem>>
        %dma_start3A_277 = tpu.memref_squeeze %dma_start3A_276 : memref<1x128xf32, #tpu.memory_space<vmem>> -> memref<128xf32, #tpu.memory_space<vmem>>
        %dma_start3A_278 = arith.constant 0 : i32
        %dma_start3A_279 = tpu.memref_slice %arg5[%add3A_262, %dma_start3A_278] : memref<80x128xi32, #tpu.memory_space<vmem>> -> memref<1x128xi32, #tpu.memory_space<vmem>>
        %dma_start3A_280 = tpu.memref_squeeze %dma_start3A_279 : memref<1x128xi32, #tpu.memory_space<vmem>> -> memref<128xi32, #tpu.memory_space<vmem>>
        %dma_start3A_281 = arith.constant 0 : i32
        %dma_start3A_282 = tpu.memref_slice %arg9[%dma_start3A_281] : memref<10000xf32, #tpu.memory_space<vmem_shared>> -> memref<10000xf32, #tpu.memory_space<vmem_shared>>
        tpu.enqueue_indirect_dma source(%dma_start3A_277 : memref<128xf32, #tpu.memory_space<vmem>>) target(%dma_start3A_282 : memref<10000xf32, #tpu.memory_space<vmem_shared>>) offsets(%dma_start3A_280 : memref<128xi32, #tpu.memory_space<vmem>>) semaphore(%arg13 : memref<!tpu.dma_semaphore, #tpu.memory_space<semaphore_mem>>) {add = true}
      } else {
      }
      %mul3A_267 = arith.constant 4 : i32
      %mul3A_268 = arith.muli %add3A_242, %mul3A_267 : i32
      %add3A_269 = arith.constant 3 : i32
      %add3A_270 = arith.addi %mul3A_268, %add3A_269 : i32
      %lt3A_271 = arith.cmpi slt, %add3A_270, %select_n3A : i32
      %convert_element_type3A_272 = arith.extui %lt3A_271 : i1 to i32
      %cond3A_273 = arith.constant 0 : i32
      %cond3A_274 = arith.cmpi ne, %convert_element_type3A_272, %cond3A_273 : i32
      scf.if %cond3A_274 {
        %dma_start3A_275 = arith.constant 0 : i32
        %dma_start3A_276 = tpu.memref_slice %arg7[%add3A_270, %dma_start3A_275] : memref<80x128xf32, #tpu.memory_space<vmem>> -> memref<1x128xf32, #tpu.memory_space<vmem>>
        %dma_start3A_277 = tpu.memref_squeeze %dma_start3A_276 : memref<1x128xf32, #tpu.memory_space<vmem>> -> memref<128xf32, #tpu.memory_space<vmem>>
        %dma_start3A_278 = arith.constant 0 : i32
        %dma_start3A_279 = tpu.memref_slice %arg5[%add3A_270, %dma_start3A_278] : memref<80x128xi32, #tpu.memory_space<vmem>> -> memref<1x128xi32, #tpu.memory_space<vmem>>
        %dma_start3A_280 = tpu.memref_squeeze %dma_start3A_279 : memref<1x128xi32, #tpu.memory_space<vmem>> -> memref<128xi32, #tpu.memory_space<vmem>>
        %dma_start3A_281 = arith.constant 0 : i32
        %dma_start3A_282 = tpu.memref_slice %arg9[%dma_start3A_281] : memref<10000xf32, #tpu.memory_space<vmem_shared>> -> memref<10000xf32, #tpu.memory_space<vmem_shared>>
        tpu.enqueue_indirect_dma source(%dma_start3A_277 : memref<128xf32, #tpu.memory_space<vmem>>) target(%dma_start3A_282 : memref<10000xf32, #tpu.memory_space<vmem_shared>>) offsets(%dma_start3A_280 : memref<128xi32, #tpu.memory_space<vmem>>) semaphore(%arg13 : memref<!tpu.dma_semaphore, #tpu.memory_space<semaphore_mem>>) {add = true}
      } else {
      }
    }
    %scan3A_59 = arith.constant 10 : i32
    %scan3A_60 = arith.constant 0 : i32
    %scan3A_61 = arith.constant 0 : i32
    %scan3A_62 = arith.constant 80 : i32
    %scan3A_63 = arith.addi %scan3A_61, %scan3A_62 : i32
    %scan3A_64 = arith.constant 1 : i32
    scf.for %scan3A_72 = %scan3A_61 to %scan3A_63 step %scan3A_64  : i32 {
      %lt3A_73 = arith.cmpi slt, %scan3A_72, %select_n3A : i32
      %convert_element_type3A_74 = arith.extui %lt3A_73 : i1 to i32
      %cond3A_75 = arith.constant 0 : i32
      %cond3A_76 = arith.cmpi ne, %convert_element_type3A_74, %cond3A_75 : i32
      scf.if %cond3A_76 {
        %dma_wait3A_77 = arith.constant 0 : i32
        %dma_wait3A_78 = tpu.memref_slice %arg7[%scan3A_72, %dma_wait3A_77] : memref<80x128xf32, #tpu.memory_space<vmem>> -> memref<1x128xf32, #tpu.memory_space<vmem>>
        %dma_wait3A_79 = tpu.memref_squeeze %dma_wait3A_78 : memref<1x128xf32, #tpu.memory_space<vmem>> -> memref<128xf32, #tpu.memory_space<vmem>>
        %dma_wait3A_80 = arith.constant 0 : i32
        %dma_wait3A_81 = tpu.memref_slice %arg5[%scan3A_72, %dma_wait3A_80] : memref<80x128xi32, #tpu.memory_space<vmem>> -> memref<1x128xi32, #tpu.memory_space<vmem>>
        %dma_wait3A_82 = tpu.memref_squeeze %dma_wait3A_81 : memref<1x128xi32, #tpu.memory_space<vmem>> -> memref<128xi32, #tpu.memory_space<vmem>>
        %dma_wait3A_83 = arith.constant 0 : i32
        %dma_wait3A_84 = tpu.memref_slice %arg9[%dma_wait3A_83] : memref<10000xf32, #tpu.memory_space<vmem_shared>> -> memref<10000xf32, #tpu.memory_space<vmem_shared>>
        tpu.wait_indirect_dma semaphore(%arg13 : memref<!tpu.dma_semaphore, #tpu.memory_space<semaphore_mem>>) src(%dma_wait3A_79 : memref<128xf32, #tpu.memory_space<vmem>>) dst(%dma_wait3A_84 : memref<10000xf32, #tpu.memory_space<vmem_shared>>)
      } else {
      }
    }
    %scan3A_65 = arith.constant 80 : i32
    %barrier3A_66 = arith.constant 0 : index
    tpu.barrier barrier_id(%barrier3A_66)
    %eq3A_67 = arith.constant 0 : i32
    %eq3A_68 = arith.cmpi eq, %arg1, %eq3A_67 : i32
    %convert_element_type3A_69 = arith.extui %eq3A_68 : i1 to i32
    %cond3A_70 = arith.constant 0 : i32
    %cond3A_71 = arith.cmpi ne, %convert_element_type3A_69, %cond3A_70 : i32
    scf.if %cond3A_71 {
      "tpu.region"() ({
        %run_scoped3A = tpu.sem_alloc : memref<!tpu.dma_semaphore, #tpu.memory_space<semaphore_mem>>
        %dma_start3A_72 = arith.constant 0 : i32
        %dma_start3A_73 = tpu.memref_slice %arg4[%arg0, %dma_start3A_72] : memref<2x10000xf32, #tpu.memory_space<hbm>> -> memref<1x10000xf32, #tpu.memory_space<hbm>>
        %dma_start3A_74 = tpu.memref_squeeze %dma_start3A_73 : memref<1x10000xf32, #tpu.memory_space<hbm>> -> memref<10000xf32, #tpu.memory_space<hbm>>
        tpu.enqueue_dma source(%arg9 : memref<10000xf32, #tpu.memory_space<vmem_shared>>) target(%dma_start3A_74 : memref<10000xf32, #tpu.memory_space<hbm>>) target_semaphore(%run_scoped3A : memref<!tpu.dma_semaphore, #tpu.memory_space<semaphore_mem>>)
        %dma_wait3A_75 = arith.constant 0 : i32
        %dma_wait3A_76 = tpu.memref_slice %arg4[%arg0, %dma_wait3A_75] : memref<2x10000xf32, #tpu.memory_space<hbm>> -> memref<1x10000xf32, #tpu.memory_space<hbm>>
        %dma_wait3A_77 = tpu.memref_squeeze %dma_wait3A_76 : memref<1x10000xf32, #tpu.memory_space<hbm>> -> memref<10000xf32, #tpu.memory_space<hbm>>
        tpu.wait_dma2 semaphore(%run_scoped3A : memref<!tpu.dma_semaphore, #tpu.memory_space<semaphore_mem>>) src(%arg9 : memref<10000xf32, #tpu.memory_space<vmem_shared>>) dst(%dma_wait3A_77 : memref<10000xf32, #tpu.memory_space<hbm>>)
        tpu.yield
      }) : () -> ()
    } else {
    }
    return
  }
}

module attributes {stable_mosaic.version = 14 : i64} {
  func.func @_assemble_body(%arg0: memref<2x10000xf32, #tpu.memory_space<vmem>>, %arg1: memref<10000x128xf32, #tpu.memory_space<vmem>>) attributes {dimension_semantics = [], scalar_prefetch = 0 : i64, scratch_operands = 0 : i64, tpu.core_type = #tpu.core_type<tc>} {
    %get3A = arith.constant 0 : index
    %get3A_0 = arith.constant 0 : index
    %get3A_1 = vector.load %arg0[%get3A, %get3A_0] : memref<2x10000xf32, #tpu.memory_space<vmem>>, vector<2x10000xf32>
    %slice3A = vector.extract_strided_slice %get3A_1 {offsets = [0, 0], sizes = [1, 10000], strides = [1, 1]} : vector<2x10000xf32> to vector<1x10000xf32>
    %squeeze3A = vector.shape_cast %slice3A : vector<1x10000xf32> to vector<10000xf32>
    %slice3A_2 = vector.extract_strided_slice %get3A_1 {offsets = [1, 0], sizes = [1, 10000], strides = [1, 1]} : vector<2x10000xf32> to vector<1x10000xf32>
    %squeeze3A_3 = vector.shape_cast %slice3A_2 : vector<1x10000xf32> to vector<10000xf32>
    %add3A = arith.addf %squeeze3A, %squeeze3A_3 : vector<10000xf32>
    %iota3A = tpu.iota {dimensions = array<i32: 1>} : vector<10000x128xi32>
    %eq3A = arith.constant 0 : i32
    %eq3A_4 = vector.broadcast %eq3A : i32 to vector<10000x128xi32>
    %eq3A_5 = arith.cmpi eq, %iota3A, %eq3A_4 : vector<10000x128xi32>
    %broadcast_in_dim3A = vector.shape_cast %add3A : vector<10000xf32> to vector<10000x1xf32>
    %jit3A = arith.constant 0.000000e+00 : f32
    %broadcast_in_dim3A_6 = vector.shape_cast %broadcast_in_dim3A : vector<10000x1xf32> to vector<10000x1xf32>
    %broadcast_in_dim3A_7 = vector.broadcast %broadcast_in_dim3A_6 : vector<10000x1xf32> to vector<10000x128xf32>
    %broadcast_in_dim3A_8 = vector.broadcast %jit3A : f32 to vector<10000x128xf32>
    %select_n3A = arith.select %eq3A_5, %broadcast_in_dim3A_7, %broadcast_in_dim3A_8 : vector<10000x128xi1>, vector<10000x128xf32>
    %swap3A = arith.constant 0 : index
    %swap3A_9 = arith.constant 0 : index
    %swap3A_10 = vector.load %arg1[%swap3A, %swap3A_9] : memref<10000x128xf32, #tpu.memory_space<vmem>>, vector<10000x128xf32>
    tpu.vector_store %arg1[%swap3A, %swap3A_9], %select_n3A {strides = array<i32>} : memref<10000x128xf32, #tpu.memory_space<vmem>>, vector<10000x128xf32>,
    return
  }
}

</mosaic_0001>

<sc_bundles>
// kernel: kernel.4.cloned.1.call-start
scs
__scs_entry_jumppad:
0x0: {  	(pc) =	sbr.rel $0x88, $3  }
0x1: {  	(tag) =	ssettag $0x0;
	lr =	simm.s32 $0x1  }
0x2: {  	[smem:$0x3F9F] =	sst lr;
	_ =	strace $0xD0000000  }
0x3: {  	_ = 	snop  }
0x4: {  	_ = 	snop  }
0x5: {  	_ = 	snop  }
0x6: {  	_ = 	snop  }
0x7: {  	_ = 	snop  }
__scs_overlays_trampoline_lowered:
0x8: {  	[smem:$0x3FAE] =	sst s0  }
0x9: {  	[smem:$0x3FAF] =	sst s1  }
0xa: {  	[smem:$0x3FB0] =	sst s2  }
0xb: {  	[smem:$0x3FB1] =	sst s3  }
0xc: {  	[smem:$0x3FB2] =	sst s4  }
0xd: {  	[smem:$0x3FB3] =	sst s5  }
0xe: {  	[smem:$0x3FB4] =	sst s6  }
0xf: {  	[smem:$0x3FB5] =	sst s7  }
0x10: {  	[smem:$0x3FB6] =	sst s8  }
0x11: {  	[smem:$0x3FB7] =	sst s9;
	s0 =	simm.s32 @!p0 $0x0  }
0x12: {  	s1 =	sld [smem:$0x3F9D];
	s0 =	simm.s32 @p0 $0x1  }
0x13: {  	[smem:$0x3FB8] =	sst s0;
	s0 =	simm.s32 @!p1 $0x0  }
0x14: {  	s2 =	sld [smem:$0x3F9C];
	s0 =	simm.s32 @p1 $0x1  }
0x15: {  	[smem:$0x3FB9] =	sst s0;
	s0 =	simm.s32 @!p2 $0x0  }
0x16: {  	s3 =	sld [smem:$0x3FDB];
	s0 =	simm.s32 @p2 $0x1  }
0x17: {  	s4 =	simm.s32 $0x1BF5;
	[smem:$0x3FBB] =	sst s0  }
0x18: {  	s0 =	sld [smem:$0x3F9E];
	_ =	swait.ge [sflag:s4], $0x0  }
0x19: {  	s7 =	sld [smem:$0x3F9F]  }
0x1a: {  	s8 =	sadd.s32 $0xFFFFE003, lr  }
0x1b: {  	s9 =	sadd.s32 $0xFFFFFEF7, lr;
	s5 =	simm.s32 $0xFFFFFFFF;
	p2 =	slt.u32 s8, $0xFFFFF086  }
0x1c: {  	p1 =	slt.u32 s9, $0xF7A;
	s5 =	simm.s32 @!p2 $0x0  }
0x1d: {  	s5 =	simm.s32 @p1 $0x1;
	p0 =	seq.s32 s7, s2  }
0x1e: {  	s7 =	smul.u32 @!p0 $0xF7A, s2;
	p2 =	seq.s32 @!p0 s5, $0x0  }
0x1f: {  	s9 =	smul.u32 $0xF7A, s1;
	s8 =	simm.s32 @!p0 $0x1BF5;
	p2 =	por !p2, p0  }
0x20: {  	[sflag:s8] =	ssyncset.s32 @!p0 $0xFFFFF086;
	s6 =	sadd.s32 @!p0 s3, s7;
	s7 =	simm.s32 @!p0 $0x108  }
0x21: {  	s3 =	sadd.s32 s3, s9;
	s6 =	sadd.s32 @!p0 $0x88, s6;
	s7 =	simm.s32 @p2 $0x1082  }
0x22: {  	[simem:s7], [sflag:s8] =	dma.local @!p0 [hbm:s6], $0xF7A  }
0x23: {  	s9 =	sor.u32 $0xD0000000, s2;
	s6 =	simm.s32 $0x108;
	_ =	swait.ge @!p0 [sflag:s8], $0x0  }
0x24: {  	s3 =	sadd.s32 $0x88, s3;
	s6 =	simm.s32 @!p1 $0x1082;
	[sflag:s4] =	ssyncset.s32 $0xFFFFF086  }
0x25: {  	[simem:s6], [sflag:s4] =	dma.local [hbm:s3], $0xF7A  }
0x26: {  	[smem:$0x3F9F] =	sst s1;
	(tag) =	ssettag s2;
	_ =	strace s9  }
0x27: {  	s1 =	sld [smem:$0x3FAF]  }
0x28: {  	s2 =	sld [smem:$0x3FB0]  }
0x29: {  	s4 =	sld [smem:$0x3FB2]  }
0x2a: {  	p0 =	seq.s32 s5, $0x0;
	s5 =	sld [smem:$0x3FB3]  }
0x2b: {  	s6 =	sld [smem:$0x3FB4]  }
0x2c: {  	s7 =	sld [smem:$0x3FB5]  }
0x2d: {  	s3 =	simm.s32 $0x108;
	s8 =	sld [smem:$0x3FB6]  }
0x2e: {  	s3 =	simm.s32 @!p0 $0x1082;
	s9 =	sld [smem:$0x3FB7]  }
0x2f: {  	lr =	sadd.s32 s0, s3;
	s0 =	sld [smem:$0x3FAE]  }
0x30: {  	s3 =	sld [smem:$0x3FB1]  }
0x31: {  	[smem:$0x3FBA] =	sst s10  }
0x32: {  	s10 =	sld [smem:$0x3FB8];
	_ =	sdelay $0x3  }
0x33: {  	p0 =	seq.s32 s10, $0x1;
	s10 =	sld [smem:$0x3FBA];
	_ =	sdelay $0x3  }
0x34: {  	[smem:$0x3FBA] =	sst s10  }
0x35: {  	s10 =	sld [smem:$0x3FB9];
	_ =	sdelay $0x3  }
0x36: {  	p1 =	seq.s32 s10, $0x1;
	s10 =	sld [smem:$0x3FBA];
	_ =	sdelay $0x3  }
0x37: {  	[smem:$0x3FBA] =	sst s10  }
0x38: {  	s10 =	sld [smem:$0x3FBB]  }
0x39: {  	_ = 	snop;
	(pc) =	sbr.ind lr, $3  }
0x3a: {  	_ = 	snop  }
0x3b: {  	_ = 	snop  }
0x3c: {  	p2 =	seq.s32 s10, $0x1;
	s10 =	sld [smem:$0x3FBA]  }
0x3d: {  	_ =	shalt  }
0x3e: {  	_ =	shalt  }
0x3f: {  	_ =	shalt  }
0x40: {  	_ =	shalt  }
0x41: {  	_ =	shalt  }
0x42: {  	_ =	shalt  }
0x43: {  	_ =	shalt  }
0x44: {  	_ =	shalt  }
0x45: {  	_ =	shalt  }
0x46: {  	_ =	shalt  }
0x47: {  	_ =	shalt  }
0x48: {  	_ =	shalt  }
0x49: {  	_ =	shalt  }
0x4a: {  	_ =	shalt  }
0x4b: {  	_ =	shalt  }
0x4c: {  	_ =	shalt  }
0x4d: {  	_ =	shalt  }
0x4e: {  	_ =	shalt  }
0x4f: {  	_ =	shalt  }
0x50: {  	_ =	shalt  }
0x51: {  	_ =	shalt  }
0x52: {  	_ =	shalt  }
0x53: {  	_ =	shalt  }
0x54: {  	_ =	shalt  }
0x55: {  	_ =	shalt  }
0x56: {  	_ =	shalt  }
0x57: {  	_ =	shalt  }
0x58: {  	_ =	shalt  }
0x59: {  	_ =	shalt  }
0x5a: {  	_ =	shalt  }
0x5b: {  	_ =	shalt  }
0x5c: {  	_ =	shalt  }
0x5d: {  	_ =	shalt  }
0x5e: {  	_ =	shalt  }
0x5f: {  	_ =	shalt  }
0x60: {  	_ =	shalt  }
0x61: {  	_ =	shalt  }
0x62: {  	_ =	shalt  }
0x63: {  	_ =	shalt  }
0x64: {  	_ =	shalt  }
0x65: {  	_ =	shalt  }
0x66: {  	_ =	shalt  }
0x67: {  	_ =	shalt  }
0x68: {  	_ =	shalt  }
0x69: {  	_ =	shalt  }
0x6a: {  	_ =	shalt  }
0x6b: {  	_ =	shalt  }
0x6c: {  	_ =	shalt  }
0x6d: {  	_ =	shalt  }
0x6e: {  	_ =	shalt  }
0x6f: {  	_ =	shalt  }
0x70: {  	_ =	shalt  }
0x71: {  	_ =	shalt  }
0x72: {  	_ =	shalt  }
0x73: {  	_ =	shalt  }
0x74: {  	_ =	shalt  }
0x75: {  	_ =	shalt  }
0x76: {  	_ =	shalt  }
0x77: {  	_ =	shalt  }
0x78: {  	_ =	shalt  }
0x79: {  	_ =	shalt  }
0x7a: {  	_ =	shalt  }
0x7b: {  	_ =	shalt  }
0x7c: {  	_ =	shalt  }
0x7d: {  	_ =	shalt  }
0x7e: {  	_ =	shalt  }
0x7f: {  	_ =	shalt  }
0x80: {  	_ =	shalt  }
0x81: {  	_ =	shalt  }
0x82: {  	_ =	shalt  }
0x83: {  	_ =	shalt  }
0x84: {  	_ =	shalt  }
0x85: {  	_ =	shalt  }
0x86: {  	_ =	shalt  }
0x87: {  	_ =	shalt  }
.Lfunc_end0:
.L_simem_size_0:
called_computation_lowered:
.L_overlay_start_0:
0x88: {  	s2 =	sld [smem:$0x3FD9]  }
0x89: {  	s3 =	sld [smem:$0x3FFE];
	_ =	sdelay $0x1  }
0x8a: {  	s1 =	srdreg.scid  }
0x8b: {  	s0 =	sand.u32 $0x1, s1  }
0x8c: {  	s17 =	sshll.u32 s0, $0xA;
	s2 =	sadd.s32 s3, s2  }
0x8d: {  	s2 =	sadd.s32 s2, s17  }
0x8e: {  	[smem:$0x3FC6] =	sst s2  }
0x8f: {  	_ = 	snop  }
0x90: {  	s2 =	sld [smem:$0x3FC9]  }
0x91: {  	s18 =	sld [smem:$0x3FD0];
	(tm) =	ssettm $0x1  }
0x92: {  	s4 =	sld [smem:$0x3FFB];
	_ =	sdelay $0x3  }
0x93: {  	_ =	strace s4  }
0x94: {  	s4 =	sld [smem:$0x3FFC];
	_ =	sdelay $0x3  }
0x95: {  	_ =	strace s4  }
0x96: {  	s4 =	sld [smem:$0x3FFD];
	_ =	sdelay $0x3  }
0x97: {  	_ =	strace s4  }
0x98: {  	_ =	strace $0x8FFFFFFF  }
0x99: {  	s19 =	sld [smem:$0x3FDB];
	_ =	sdelay $0x1  }
0x9a: {  	s5 =	simm.s32 $_scs_section_size  }
0x9b: {  	s6 =	simm.s32 $_size__tile_overlayer_lowered;
	s7 =	simm.s32 $_tile_overlayer_lowered  }
0x9c: {  	s22 =	simm.s32 $0x1BFF;
	s21 =	sshll.u32 s7, $0x1;
	s4 =	sadd.s32 s5, s19  }
0x9d: {  	s8 =	simm.s32 $0x0;
	s20 =	sshll.u32 s6, $0x1;
	s6 =	sadd.s32 s21, s4  }
0x9e: {  	[timem:s8], [sflag:s22] =	dma.local [hbm:s6], s20  }
0x9f: {  	_ =	swait.ge [sflag:s22], s20  }
0xa0: {  	s5 =	ssub.s32 $0x0, s20;
	[sflag:s22] =	ssyncset.done $0x0  }
0xa1: {  	[sflag:s22] =	ssyncadd.s32 s5;
	_ =	sdelay $0x1  }
0xa2: {  	s23 =	simm.s32 $0x1B8B  }
0xa3: {  	_ =	swait.ge [sflag:s23], $0x1  }
0xa4: {  	[sflag:s23] =	ssyncset.done $0x0  }
0xa5: {  	s25 =	simm.s32 $0x1B8E;
	s24 =	sld [smem:$0x3FFE];
	[sflag:s23] =	ssyncadd.s32 $0xFFFFFFFF  }
0xa6: {  	s26 =	simm.s32 $execute0_lowered;
	[smem:$0x3FD2] =	sst s25  }
0xa7: {  	s6 =	sshll.u32 s26, $0x1;
	_ =	strace $0x80000046;
	[dreg:$0x1] =	wrdreg $0xFFFFFFFF  }
0xa8: {  	s28 =	simm.s32 $_size_execute0_lowered;
	s4 =	sadd.s32 s4, s6;
	[dreg:$0x0] =	wrdreg $0x0  }
0xa9: {  	s6 =	sshll.u32 s28, $0x1;
	[dreg:$0x2] =	wrdreg s4  }
0xaa: {  	[dreg:$0x3] =	wrdreg s6  }
0xab: {  	[dreg:$0x4] =	wrdreg $0xC0  }
0xac: {  	_ =	task [dreg:s8], $0x5FFFF  }
0xad: {  	[dreg:$0x1] =	wrdreg $0xFFFFFFFF  }
0xae: {  	[dreg:$0x0] =	wrdreg $0x60  }
0xaf: {  	[dreg:$0x2] =	wrdreg s2  }
0xb0: {  	[dreg:$0x3] =	wrdreg s18  }
0xb1: {  	[dreg:$0x4] =	wrdreg s24  }
0xb2: {  	[dreg:$0x5] =	wrdreg $0x7A800  }
0xb3: {  	[dreg:$0x6] =	wrdreg $0x9  }
0xb4: {  	_ =	task.clear_ibuf [dreg:s8], $0x7FFFF;
	_ =	strace $0x90000046  }
0xb5: {  	s29 =	simm.s32 $0x9;
	_ =	strace $0x80000048  }
0xb6: {  	_ =	swait.ge [sflag:s29], $0x1  }
0xb7: {  	[sflag:s29] =	ssyncadd.s32 $0xFFFFFFFF  }
0xb8: {  	_ =	strace $0x90000048  }
0xb9: {  	_ =	sfence  }
0xba: {  	s30 =	sld [smem:$0x0];
	_ =	sdelay $0x2  }
0xbb: {  	s31 =	sshll.u32 s1, $0xD;
	s1 =	sshrl.u32 s1, $0x2  }
0xbc: {  	s3 =	sand.u32 $0x4000, s31;
	s1 =	sadd.s32 s1, s30  }
0xbd: {  	s0 =	sor.u32 s3, s0;
	s1 =	sshll.u32 s1, $0x11  }
0xbe: {  	s0 =	sor.u32 s1, s0  }
0xbf: {  	s0 =	sadd.s32 $0x8F2B, s0  }
0xc0: {  	[sflag:s0] =	ssyncadd.remote.s32 $0x1  }
0xc1: {  	_ =	sfence.sel $0xFFFF  }
0xc2: {  	[dreg:$0x0] =	wrdreg $0xFFFFFFFF;
	(pc) =	sbr.abs _section_cstart, $3  }
0xc3: {  	[dreg:$0x1] =	wrdreg $0xFFFFFFFF  }
0xc4: {  	_ =	task.clear_ibuf [dreg:s8], $0x2FFFF;
	_ =	strace $0x9FFFFFFF  }
0xc5: {  	(tm) =	ssettm $0x7FFFFFFF  }
tec
execute0_lowered:
.L_overlay_start_1:
0x0: {  	(tag) =	ssettag $0x1  }
0x1: {  	s28 =	rddreg [dreg:$0x0]  }
0x2: {  	s0 =	rddreg [dreg:$0x1]  }
0x3: {  	s3 =	rddreg [dreg:$0x2]  }
0x4: {  	s20 =	rddreg [dreg:$0x3];
	s6 =	stileid.u32  }
0x5: {  	s4 =	srdreg.scid;
	s1 =	simm.s32 $0x0;
	s24 =	smul.u32 $0xA00, s6  }
0x6: {  	s5 =	sand.u32 $0x1, s4;
	[smem:$0x7FF] =	sst s1;
	s26 =	smul.u32 $0x140000, s6  }
0x7: {  	s29 =	sadd.s32 $0x2580, s20;
	s4 =	sshll.u32 s5, $0x4;
	_ =	strace $0x80000047  }
0x8: {  	s7 =	ssub.s32 $0x2, s5;
	s5 =	smul.u32 $0x1400000, s5;
	[dreg:$0x10] =	wrdreg s29  }
0x9: {  	s8 =	sor.u32 s6, s4;
	s3 =	sadd.s32 s4, s3;
	s9 =	sshrl.u32 s7, $0x1  }
0xa: {  	s4 =	simm.s32 $0x14;
	s25 =	sshrl.u32 s24, $0x2;
	s10 =	smul.u32 $0x500, s8  }
0xb: {  	p0 =	seq.s32 s8, $0x1F;
	s7 =	ssub.s32 s7, s9;
	s30 =	sadd.s32 $0x600, s3  }
0xc: {  	s4 =	simm.s32 @!p0 $0x50;
	[dreg:$0x11] =	wrdreg s30;
	s0 =	sadd.s32 s0, s10  }
0xd: {  	p0 =	seq.s32 s6, $0xF;
	[dreg:$0xe] =	wrdreg s0;
	s0 =	sadd.s32 s25, s20  }
0xe: {  	s2 =	sadd.s32 s26, s5;
	[dreg:$0xf] =	wrdreg s0;
	s0 =	simm.s32 @!p0 $0x0  }
0xf: {  	[dreg:$0x13] =	wrdreg s2;
	s0 =	simm.s32 @p0 $0x1;
	p0 =	sne.s32 s6, $0x0  }
0x10: {  	v0 =	vlaneseq.u32;
	s31 =	smax.u32 s7, $0x1;
	[smem:$0x7FC] =	sst s0;
	s0 =	simm.s32 @!p0 $0x0  }
0x11: {  	v0 =	vmul.u32 $0x80, v0;
	[dreg:$0x12] =	wrdreg s31;
	s0 =	simm.s32 @p0 $0x1  }
0x12: {  	v1 =	vimm.f32 $0.0e+00;
	s3 =	simm.s32 $0x0;
	[smem:$0x7FD] =	sst s0  }
.LBB2_1:
0x13: {  	s0 =	simm.s32 $0x0;
	s1 =	rddreg [dreg:$0xe];
	s24 =	sadd.s32 $0x0, s2  }
0x14: {  	[tilespmem:s0], [sflag:$0x3] =	stream.linear.gather [hbm4b:s1+s0], $0x2800, $0x38;
	[tilespmem:$0x7CF8] =	vst v63  }
0x15: {  	s5 =	sadd.s32 $0x3800, s24  }
0x16: {  	s0 =	simm.s32 $0x2840;
	s6 =	sadd.s32 $0x800, s24;
	v2 =	vor.u32 s5, v0  }
0x17: {  	s30 =	sadd.s32 $0x2800, s24;
	v3 =	vor.u32 s6, v0;
	[tilespmem:s0+$0x30] =	vst v2  }
0x18: {  	s25 =	sadd.s32 $0x1000, s24;
	v4 =	vor.u32 s30, v0;
	[tilespmem:s0+$0xFFFFFFD0] =	vst v3  }
0x19: {  	s26 =	sadd.s32 $0x1800, s24;
	v2 =	vor.u32 s25, v0;
	[tilespmem:s0+$0x10] =	vst v4  }
0x1a: {  	s29 =	sadd.s32 $0x2000, s24;
	v3 =	vor.u32 s26, v0;
	[tilespmem:s0+$0xFFFFFFE0] =	vst v2  }
0x1b: {  	s31 =	sadd.s32 $0x3000, s24;
	v2 =	vor.u32 s29, v0;
	[tilespmem:s0+$0xFFFFFFF0] =	vst v3  }
0x1c: {  	[dreg:$0x14] =	wrdreg s3;
	s3 =	sadd.s32 $0x4000, s2;
	s5 =	simm.s32 $0x8000;
	v3 =	vor.u32 s31, v0;
	[tilespmem:s0+$0x0] =	vst v2;
	v2 =	vor.u32 s24, v0  }
.LBB2_2:
0x1d: {  	p0 =	sne.s32 s5, $0x13C000;
	v4 =	vor.u32 s3, v0;
	s6 =	sadd.s32 $0x800, s3;
	s7 =	sadd.s32 $0x3800, s3;
	[tilespmem:s0+$0x20] =	vst v3  }
0x1e: {  	s8 =	sadd.s32 $0x1800, s3;
	v3 =	vor.u32 s6, v0;
	s6 =	sadd.s32 $0x1000, s3;
	v5 =	vor.u32 s7, v0;
	[tilespmem:s0+$0xFFFFFFC0] =	vst v2;
	s0 =	sadd.s32 $0x80, s0;
	v2 =	vmov v4  }
0x1f: {  	v6 =	vor.u32 s8, v0;
	s7 =	sadd.s32 $0x2800, s3;
	v4 =	vor.u32 s6, v0;
	s6 =	sadd.s32 $0x2000, s3;
	s3 =	sadd.s32 $0x3000, s3;
	[tilespmem:s0+$0x30] =	vst v5  }
.Ltmp0:
0x20: {  	v7 =	vor.u32 s7, v0;
	[tilespmem:s0+$0xFFFFFFD0] =	vst v3;
	v5 =	vor.u32 s6, v0;
	v3 =	vor.u32 s3, v0;
	(pc) =	sbr.rel @p0 .LBB2_2-.Ltmp0, $4  }
0x21: {  	[tilespmem:s0+$0xFFFFFFE0] =	vst v4  }
0x22: {  	[tilespmem:s0+$0xFFFFFFF0] =	vst v6  }
0x23: {  	[tilespmem:s0+$0x0] =	vst v5  }
0x24: {  	s3 =	sadd.s32 s5, s2;
	s5 =	sadd.s32 $0x4000, s5;
	[tilespmem:s0+$0x10] =	vst v7  }
0x25: {  	s5 =	sadd.s32 $0x3800, s3;
	[tilespmem:s0+$0x20] =	vst v3  }
0x26: {  	s6 =	sadd.s32 $0x800, s3;
	[tilespmem:s0+$0xFFFFFFC0] =	vst v2;
	s10 =	sadd.s32 $0x80, s0;
	v3 =	vor.u32 s5, v0  }
0x27: {  	s11 =	sadd.s32 $0x1000, s3;
	v2 =	vor.u32 s6, v0;
	[tilespmem:s10+$0x30] =	vst v3  }
0x28: {  	s12 =	sadd.s32 $0x1800, s3;
	v3 =	vor.u32 s11, v0;
	[tilespmem:s10+$0xFFFFFFD0] =	vst v2  }
0x29: {  	s13 =	sadd.s32 $0x2000, s3;
	v2 =	vor.u32 s12, v0;
	[tilespmem:s10+$0xFFFFFFE0] =	vst v3  }
0x2a: {  	s14 =	sadd.s32 $0x2800, s3;
	v3 =	vor.u32 s13, v0;
	[tilespmem:s10+$0xFFFFFFF0] =	vst v2  }
0x2b: {  	s15 =	sadd.s32 $0x3000, s3;
	v2 =	vor.u32 s14, v0;
	[tilespmem:s10+$0x0] =	vst v3  }
0x2c: {  	v3 =	vor.u32 s15, v0;
	[tilespmem:s10+$0x10] =	vst v2  }
0x2d: {  	v2 =	vor.u32 s3, v0;
	[tilespmem:s10+$0x20] =	vst v3  }
0x2e: {  	s16 =	simm.s32 $0x80;
	s1 =	simm.s32 $0x2800;
	s2 =	simm.s32 $0x5000;
	[tilespmem:s10+$0xFFFFFFC0] =	vst v2  }
0x2f: {  	[tilespmem:s2], [sflag:$0x1] =	stream.indirect.gather [hbm4b:s28+s16], $0x1, s1, s16, $0xb8;
	[tilespmem:$0x7CF8] =	vst v63  }
0x30: {  	s17 =	simm.s32 $0x2880;
	s18 =	simm.s32 $0x5080  }
0x31: {  	[tilespmem:s18], [sflag:$0x1] =	stream.indirect.gather [hbm4b:s28+s16], $0x1, s17, s16, $0xb8;
	[tilespmem:$0x7CF8] =	vst v63  }
0x32: {  	s19 =	simm.s32 $0x2900;
	s21 =	simm.s32 $0x5100  }
0x33: {  	[tilespmem:s21], [sflag:$0x1] =	stream.indirect.gather [hbm4b:s28+s16], $0x1, s19, s16, $0xb8;
	[tilespmem:$0x7CF8] =	vst v63  }
0x34: {  	s22 =	simm.s32 $0x2980;
	s23 =	simm.s32 $0x5180  }
0x35: {  	[tilespmem:s23], [sflag:$0x1] =	stream.indirect.gather [hbm4b:s28+s16], $0x1, s22, s16, $0xb8;
	[tilespmem:$0x7CF8] =	vst v63  }
0x36: {  	[tilespmem:$0x7800] =	vst v1  }
0x37: {  	[tilespmem:$0x7810] =	vst v1  }
0x38: {  	[tilespmem:$0x7820] =	vst v1  }
0x39: {  	[tilespmem:$0x7830] =	vst v1  }
0x3a: {  	[tilespmem:$0x7840] =	vst v1  }
0x3b: {  	[tilespmem:$0x7850] =	vst v1  }
0x3c: {  	[tilespmem:$0x7860] =	vst v1  }
0x3d: {  	[tilespmem:$0x7870] =	vst v1  }
0x3e: {  	[tilespmem:$0x7880] =	vst v1  }
0x3f: {  	[tilespmem:$0x7890] =	vst v1  }
0x40: {  	[tilespmem:$0x78A0] =	vst v1  }
0x41: {  	[tilespmem:$0x78B0] =	vst v1  }
0x42: {  	[tilespmem:$0x78C0] =	vst v1  }
0x43: {  	[tilespmem:$0x78D0] =	vst v1  }
0x44: {  	[tilespmem:$0x78E0] =	vst v1  }
0x45: {  	[tilespmem:$0x78F0] =	vst v1  }
0x46: {  	[tilespmem:$0x7900] =	vst v1  }
0x47: {  	[tilespmem:$0x7910] =	vst v1  }
0x48: {  	[tilespmem:$0x7920] =	vst v1  }
0x49: {  	[tilespmem:$0x7930] =	vst v1  }
0x4a: {  	[tilespmem:$0x7940] =	vst v1  }
0x4b: {  	[tilespmem:$0x7950] =	vst v1  }
0x4c: {  	[tilespmem:$0x7960] =	vst v1  }
0x4d: {  	[tilespmem:$0x7970] =	vst v1  }
0x4e: {  	[tilespmem:$0x7980] =	vst v1  }
0x4f: {  	[tilespmem:$0x7990] =	vst v1  }
0x50: {  	[tilespmem:$0x79A0] =	vst v1  }
0x51: {  	[tilespmem:$0x79B0] =	vst v1  }
0x52: {  	[tilespmem:$0x79C0] =	vst v1  }
0x53: {  	[tilespmem:$0x79D0] =	vst v1  }
0x54: {  	[tilespmem:$0x79E0] =	vst v1  }
0x55: {  	[tilespmem:$0x79F0] =	vst v1  }
0x56: {  	[tilespmem:$0x7A00] =	vst v1  }
0x57: {  	[tilespmem:$0x7A10] =	vst v1  }
0x58: {  	[tilespmem:$0x7A20] =	vst v1  }
0x59: {  	s24 =	sld [smem:$0x7FC];
	[tilespmem:$0x7A30] =	vst v1  }
0x5a: {  	[tilespmem:$0x7A40] =	vst v1  }
0x5b: {  	[tilespmem:$0x7A50] =	vst v1  }
0x5c: {  	p0 =	seq.s32 s24, $0x1;
	[tilespmem:$0x7A60] =	vst v1  }
0x5d: {  	s0 =	simm.s32 @p0 $0x7800;
	s1 =	rddreg [dreg:$0x10];
	[tilespmem:$0x7A70] =	vst v1  }
0x5e: {  	[spmem:s1] =	stream.linear.scatter @p0 [tilespmem:s0], [sflag:$0x5], $0x190, $0x38;
	[tilespmem:$0x7CF8] =	vst v63  }
0x5f: {  	s0 =	simm.s32 @p0 $0x5  }
0x60: {  	_ =	swait.ge @p0 [sflag:s0], $0x190  }
0x61: {  	[sflag:s0] =	ssyncset.done @p0 $0x0  }
0x62: {  	s1 =	rddreg [dreg:$0xf];
	[sflag:s0] =	ssyncadd.s32 @p0 $0xFFFFFE70;
	s0 =	simm.s32 @!p0 $0x7800  }
0x63: {  	[spmem:s1] =	stream.linear.scatter @!p0 [tilespmem:s0], [sflag:$0x5], $0x280, $0x38;
	[tilespmem:$0x7CF8] =	vst v63  }
0x64: {  	s0 =	simm.s32 @!p0 $0x5  }
0x65: {  	_ =	swait.ge @!p0 [sflag:s0], $0x280  }
0x66: {  	[sflag:s0] =	ssyncset.done @!p0 $0x0  }
0x67: {  	s25 =	simm.s32 $0x3;
	p6 =	sle.u32 s4, $0x0;
	[sflag:s0] =	ssyncadd.s32 @!p0 $0xFFFFFD80  }
0x68: {  	p2 =	sle.u32 s4, $0x6;
	p3 =	sle.u32 s4, $0x4;
	_ =	swait.ge [sflag:s25], $0x2800  }
0x69: {  	p1 =	sle.u32 s4, $0x7;
	s30 =	simm.s32 @!p3 $0x5200;
	[sflag:s25] =	ssyncset.done $0x0  }
0x6a: {  	s29 =	simm.s32 @!p1 $0x5380;
	s0 =	simm.s32 @!p1 $0x0;
	[sflag:s25] =	ssyncadd.s32 $0xFFFFD800  }
0x6b: {  	s1 =	simm.s32 @!p3 $0x80;
	s0 =	simm.s32 @p1 $0x1;
	[bflag:$0x0] =	sbarrier.arrive $0xFFFF  }
0x6c: {  	p0 =	sle.u32 s4, $0x5;
	[smem:$0x7F4] =	sst s0;
	s0 =	simm.s32 @!p3 $0x2A00  }
0x6d: {  	[tilespmem:s30], [sflag:$0x2] =	stream.indirect.gather @!p3 [hbm4b:s28+s1], $0x1, s0, s1, $0xb8;
	[tilespmem:$0x7CF8] =	vst v63  }
0x6e: {  	s2 =	simm.s32 @!p0 $0x5280;
	s16 =	simm.s32 @!p0 $0x80;
	s0 =	simm.s32 @!p0 $0x2A80  }
0x6f: {  	[tilespmem:s2], [sflag:$0x2] =	stream.indirect.gather @!p0 [hbm4b:s28+s16], $0x1, s0, s16, $0xb8;
	[tilespmem:$0x7CF8] =	vst v63  }
0x70: {  	s13 =	simm.s32 @!p2 $0x80;
	s3 =	simm.s32 @!p2 $0x2B00;
	s0 =	simm.s32 @!p2 $0x5300  }
0x71: {  	[tilespmem:s0], [sflag:$0x2] =	stream.indirect.gather @!p2 [hbm4b:s28+s13], $0x1, s3, s13, $0xb8;
	[tilespmem:$0x7CF8] =	vst v63  }
0x72: {  	s5 =	simm.s32 @!p6 $0x1;
	s15 =	simm.s32 @!p1 $0x80;
	s3 =	simm.s32 @!p1 $0x2B80  }
0x73: {  	[tilespmem:s29], [sflag:$0x2] =	stream.indirect.gather @!p1 [hbm4b:s28+s15], $0x1, s3, s15, $0xb8;
	[tilespmem:$0x7CF8] =	vst v63  }
0x74: {  	_ =	swait.ge @!p6 [sflag:s5], $0x80  }
0x75: {  	p1 =	sle.u32 s4, $0x1;
	[sflag:s5] =	ssyncset.done @!p6 $0x0  }
0x76: {  	s3 =	simm.s32 @!p1 $0x1;
	[sflag:s5] =	ssyncadd.s32 @!p6 $0xFFFFFF80  }
0x77: {  	_ =	swait.ge @!p1 [sflag:s3], $0x80  }
0x78: {  	p4 =	sle.u32 s4, $0x2;
	[sflag:s3] =	ssyncset.done @!p1 $0x0  }
0x79: {  	s5 =	simm.s32 @!p4 $0x1;
	[sflag:s3] =	ssyncadd.s32 @!p1 $0xFFFFFF80  }
0x7a: {  	_ =	swait.ge @!p4 [sflag:s5], $0x80  }
0x7b: {  	p5 =	sle.u32 s4, $0x3;
	[sflag:s5] =	ssyncset.done @!p4 $0x0  }
0x7c: {  	s3 =	simm.s32 @!p5 $0x1;
	[sflag:s5] =	ssyncadd.s32 @!p4 $0xFFFFFF80  }
0x7d: {  	s31 =	simm.s32 $0x13;
	s8 =	simm.s32 $0xD;
	_ =	swait.ge @!p5 [sflag:s3], $0x80  }
0x7e: {  	s6 =	simm.s32 @!p6 $0x5000;
	s7 =	simm.s32 @!p6 $0x80;
	[sflag:s3] =	ssyncset.done @!p5 $0x0  }
0x7f: {  	s5 =	simm.s32 @!p6 $0x0;
	[sflag:s3] =	ssyncadd.s32 @!p5 $0xFFFFFF80;
	s3 =	simm.s32 @!p6 $0x0  }
0x80: {  	[spmem:s20] =	stream.indirect.scatter.add.f32 @!p6 [tilespmem:s6], [sflag:$0x4], $0x1, s5, s7, $0xb8;
	[tilespmem:$0x7CF8] =	vst v63  }
0x81: {  	s14 =	simm.s32 $0x2000;
	s3 =	simm.s32 @p6 $0x1;
	s5 =	simm.s32 @!p1 $0x80  }
0x82: {  	s6 =	simm.s32 @!p1 $0x80;
	[smem:$0x7F3] =	sst s3;
	s3 =	simm.s32 @!p1 $0x5080  }
0x83: {  	[spmem:s20] =	stream.indirect.scatter.add.f32 @!p1 [tilespmem:s3], [sflag:$0x4], $0x1, s5, s6, $0xb8;
	[tilespmem:$0x7CF8] =	vst v63  }
0x84: {  	s3 =	simm.s32 @!p4 $0x5100;
	s5 =	simm.s32 @!p4 $0x100;
	s6 =	simm.s32 @!p4 $0x80  }
0x85: {  	[spmem:s20] =	stream.indirect.scatter.add.f32 @!p4 [tilespmem:s3], [sflag:$0x4], $0x1, s5, s6, $0xb8;
	[tilespmem:$0x7CF8] =	vst v63  }
0x86: {  	s21 =	simm.s32 $0x12;
	p1 =	sle.u32 s4, $0x9;
	s3 =	simm.s32 @!p5 $0x5180  }
0x87: {  	s5 =	simm.s32 @!p5 $0x180;
	s6 =	simm.s32 @!p5 $0x80;
	p4 =	sle.u32 s4, $0x8  }
0x88: {  	[spmem:s20] =	stream.indirect.scatter.add.f32 @!p5 [tilespmem:s3], [sflag:$0x4], $0x1, s5, s6, $0xb8;
	[tilespmem:$0x7CF8] =	vst v63  }
0x89: {  	s3 =	simm.s32 @!p4 $0x80;
	s5 =	simm.s32 @!p4 $0x5400;
	s6 =	simm.s32 @!p4 $0x2C00  }
0x8a: {  	[tilespmem:s5], [sflag:$0x1] =	stream.indirect.gather @!p4 [hbm4b:s28+s3], $0x1, s6, s3, $0xb8;
	[tilespmem:$0x7CF8] =	vst v63  }
0x8b: {  	s22 =	simm.s32 $0x1000;
	s25 =	simm.s32 @!p2 $0x300;
	s3 =	simm.s32 @!p1 $0x2C80  }
0x8c: {  	p4 =	sle.u32 s4, $0xA;
	s5 =	simm.s32 @!p1 $0x5480;
	s6 =	simm.s32 @!p1 $0x80  }
0x8d: {  	[tilespmem:s5], [sflag:$0x1] =	stream.indirect.gather @!p1 [hbm4b:s28+s6], $0x1, s3, s6, $0xb8;
	[tilespmem:$0x7CF8] =	vst v63  }
0x8e: {  	p5 =	sle.u32 s4, $0xB;
	s7 =	simm.s32 @!p4 $0x80;
	s3 =	simm.s32 @!p4 $0x5500  }
0x8f: {  	s5 =	simm.s32 @!p4 $0x2D00;
	p1 =	por p3, p3;
	s6 =	simm.s32 @!p5 $0x2D80  }
0x90: {  	[tilespmem:s3], [sflag:$0x1] =	stream.indirect.gather @!p4 [hbm4b:s28+s7], $0x1, s5, s7, $0xb8;
	[tilespmem:$0x7CF8] =	vst v63  }
0x91: {  	s3 =	simm.s32 @!p5 $0x80;
	s5 =	simm.s32 @!p5 $0x5580;
	s7 =	simm.s32 @!p1 $0x2  }
0x92: {  	[tilespmem:s5], [sflag:$0x1] =	stream.indirect.gather @!p5 [hbm4b:s28+s3], $0x1, s6, s3, $0xb8;
	[tilespmem:$0x7CF8] =	vst v63  }
0x93: {  	s3 =	simm.s32 @!p0 $0x2;
	s5 =	simm.s32 @!p1 $0x0;
	_ =	swait.ge @!p1 [sflag:s7], $0x80  }
0x94: {  	p5 =	sle.u32 s4, $0xF;
	s5 =	simm.s32 @p1 $0x1;
	s26 =	sld [smem:$0x7F4]  }
0x95: {  	[sflag:s7] =	ssyncset.done @!p1 $0x0;
	[smem:$0x7F5] =	sst s5;
	s5 =	simm.s32 @!p3 $0x200  }
0x96: {  	[sflag:s7] =	ssyncadd.s32 @!p1 $0xFFFFFF80;
	p1 =	por p2, p2;
	s7 =	simm.s32 @!p0 $0x0  }
0x97: {  	p2 =	sle.u32 s4, $0xE;
	_ =	swait.ge @!p0 [sflag:s3], $0x80;
	s6 =	simm.s32 @!p1 $0x2  }
0x98: {  	s7 =	simm.s32 @p0 $0x1;
	s9 =	simm.s32 @!p1 $0x0;
	p4 =	seq.s32 s26, $0x1  }
0x99: {  	s26 =	simm.s32 @!p0 $0x280;
	[sflag:s3] =	ssyncset.done @!p0 $0x0;
	[smem:$0x7F6] =	sst s7  }
0x9a: {  	s9 =	simm.s32 @p1 $0x1;
	p3 =	por p4, p4;
	[sflag:s3] =	ssyncadd.s32 @!p0 $0xFFFFFF80  }
0x9b: {  	p0 =	sle.u32 s4, $0xA;
	s7 =	simm.s32 @!p3 $0x2;
	_ =	swait.ge @!p1 [sflag:s6], $0x80  }
0x9c: {  	s18 =	simm.s32 @!p0 $0x400;
	[sflag:s6] =	ssyncset.done @!p1 $0x0;
	[smem:$0x7F7] =	sst s9  }
0x9d: {  	s9 =	simm.s32 @!p0 $0x0;
	[sflag:s6] =	ssyncadd.s32 @!p1 $0xFFFFFF80;
	s6 =	simm.s32 @!p0 $0x1  }
0x9e: {  	s9 =	simm.s32 @p0 $0x1;
	p0 =	sle.u32 s4, $0x8;
	_ =	swait.ge @!p3 [sflag:s7], $0x80  }
0x9f: {  	p6 =	por p2, p2;
	[smem:$0x7F8] =	sst s9;
	s9 =	simm.s32 @!p0 $0x0  }
0xa0: {  	s19 =	simm.s32 @!p2 $0x400;
	s9 =	simm.s32 @p0 $0x1;
	p0 =	sle.u32 s4, $0xB  }
0xa1: {  	p2 =	por p3, p3;
	[smem:$0x7F9] =	sst s9;
	s9 =	simm.s32 @!p0 $0x0  }
0xa2: {  	[sflag:s7] =	ssyncset.done @!p3 $0x0;
	p3 =	sle.u32 s4, $0x11;
	s9 =	simm.s32 @p0 $0x1  }
0xa3: {  	s11 =	simm.s32 @!p5 $0x80;
	[smem:$0x7FA] =	sst s9;
	s9 =	simm.s32 @!p3 $0x0  }
0xa4: {  	s17 =	simm.s32 @!p4 $0x380;
	s3 =	simm.s32 $0x10;
	s9 =	simm.s32 @p3 $0x1  }
0xa5: {  	p4 =	sle.u32 s4, $0x9;
	p0 =	sle.u32 s4, $0xC;
	[smem:$0x7FB] =	sst s9  }
.LBB2_4:
0xa6: {  	[dreg:$0xa] =	wrdreg s21  }
0xa7: {  	s9 =	simm.s32 @!p4 $0x0;
	s10 =	sshra.s32 @!p5 s22, $0x2;
	s24 =	sld [smem:$0x7F5]  }
0xa8: {  	p3 =	por p2, p2;
	[sflag:s7] =	ssyncadd.s32 @!p2 $0xFFFFFF80;
	s12 =	sld [smem:$0x7F6]  }
0xa9: {  	s7 =	sadd.s32 @!p6 $0x300, s19;
	s23 =	sld [smem:$0x7F9];
	s9 =	simm.s32 @p4 $0x1  }
0xaa: {  	s21 =	sadd.s32 @!p5 $0x380, s10;
	[smem:$0x7F0] =	sst s9;
	s9 =	sadd.s32 @!p6 $0x2B00, s19  }
0xab: {  	p1 =	seq.s32 s24, $0x1;
	p2 =	seq.s32 s12, $0x1;
	s12 =	sld [smem:$0x7F7]  }
0xac: {  	[spmem:s20] =	stream.indirect.scatter.add.f32 @!p1 [tilespmem:s30], [sflag:$0x4], $0x1, s5, s1, $0xb8;
	[tilespmem:$0x7CF8] =	vst v63  }
0xad: {  	s24 =	sadd.s32 $0x2, s3;
	s1 =	sadd.s32 @!p5 $0x2B80, s10;
	s5 =	sshra.s32 @!p4 s22, $0x2  }
0xae: {  	[spmem:s20] =	stream.indirect.scatter.add.f32 @!p2 [tilespmem:s2], [sflag:$0x4], $0x1, s26, s16, $0xb8;
	[tilespmem:$0x7CF8] =	vst v63  }
0xaf: {  	[dreg:$0x7] =	wrdreg s24;
	s2 =	sadd.s32 @!p4 $0x5080, s5;
	p1 =	seq.s32 s12, $0x1  }
0xb0: {  	p2 =	por p6, p6;
	s16 =	smov.u32 s14;
	[dreg:$0xc] =	wrdreg s2  }
0xb1: {  	s2 =	sadd.s32 @!p4 $0x80, s5;
	s5 =	sshra.s32 @!p0 s22, $0x2;
	[dreg:$0x9] =	wrdreg s16  }
0xb2: {  	[spmem:s20] =	stream.indirect.scatter.add.f32 @!p1 [tilespmem:s0], [sflag:$0x4], $0x1, s25, s13, $0xb8;
	[tilespmem:$0x7CF8] =	vst v63  }
0xb3: {  	[dreg:$0xd] =	wrdreg s2;
	s0 =	simm.s32 @!p6 $0x0;
	s13 =	smov.u32 s7  }
0xb4: {  	s2 =	sadd.s32 @!p0 $0x5200, s5;
	s7 =	simm.s32 @!p0 $0x80;
	[dreg:$0x8] =	wrdreg s13  }
0xb5: {  	s0 =	simm.s32 @p6 $0x1;
	p6 =	sge.u32 s8, s4;
	[dreg:$0x5] =	wrdreg s2  }
0xb6: {  	[smem:$0x7EE] =	sst s0;
	s0 =	sadd.s32 @!p0 $0x2A00, s5;
	s8 =	sshra.s32 @!p6 s22, $0x2  }
0xb7: {  	[spmem:s20] =	stream.indirect.scatter.add.f32 @!p3 [tilespmem:s29], [sflag:$0x4], $0x1, s17, s15, $0xb8;
	[tilespmem:$0x7CF8] =	vst v63  }
0xb8: {  	s30 =	simm.s32 @!p6 $0x80;
	s15 =	smov.u32 s4;
	s4 =	simm.s32 @!p2 $0x80  }
0xb9: {  	[tilespmem:s2], [sflag:$0x2] =	stream.indirect.gather @!p0 [hbm4b:s28+s7], $0x1, s0, s7, $0xb8;
	[tilespmem:$0x7CF8] =	vst v63  }
0xba: {  	s29 =	sadd.s32 @!p5 $0x5380, s10;
	s12 =	sadd.s32 @!p6 $0x2A80, s8;
	s0 =	simm.s32 @!p0 $0x80  }
0xbb: {  	s16 =	sadd.s32 @!p6 $0x5280, s8;
	[dreg:$0x6] =	wrdreg s0;
	s0 =	sadd.s32 @!p6 $0x280, s8  }
0xbc: {  	[tilespmem:s16], [sflag:$0x2] =	stream.indirect.gather @!p6 [hbm4b:s28+s30], $0x1, s12, s30, $0xb8;
	[tilespmem:$0x7CF8] =	vst v63  }
0xbd: {  	s2 =	simm.s32 @!p5 $0x0;
	[dreg:$0xb] =	wrdreg s0;
	s0 =	sadd.s32 @!p2 $0x5300, s19  }
0xbe: {  	[tilespmem:s0], [sflag:$0x2] =	stream.indirect.gather @!p2 [hbm4b:s28+s4], $0x1, s9, s4, $0xb8;
	[tilespmem:$0x7CF8] =	vst v63  }
0xbf: {  	s2 =	simm.s32 @p5 $0x1;
	p2 =	por p5, p5;
	p5 =	seq.s32 s23, $0x1  }
0xc0: {  	[smem:$0x7EF] =	sst s2;
	s10 =	simm.s32 @!p5 $0x1  }
0xc1: {  	[tilespmem:s29], [sflag:$0x2] =	stream.indirect.gather @!p2 [hbm4b:s28+s11], $0x1, s1, s11, $0xb8;
	[tilespmem:$0x7CF8] =	vst v63  }
0xc2: {  	s19 =	sld [smem:$0x7FB];
	_ =	swait.ge @!p5 [sflag:s10], $0x80  }
0xc3: {  	[sflag:s10] =	ssyncset.done @!p5 $0x0  }
0xc4: {  	s17 =	simm.s32 @!p4 $0x1;
	[sflag:s10] =	ssyncadd.s32 @!p5 $0xFFFFFF80  }
0xc5: {  	_ =	swait.ge @!p4 [sflag:s17], $0x80  }
0xc6: {  	s25 =	sld [smem:$0x7FA]  }
0xc7: {  	p1 =	seq.s32 s19, $0x1;
	[sflag:s17] =	ssyncset.done @!p4 $0x0;
	s26 =	sld [smem:$0x7F8]  }
0xc8: {  	s14 =	sadd.s32 $0x1000, s14;
	[sflag:s17] =	ssyncadd.s32 @!p4 $0xFFFFFF80;
	s17 =	simm.s32 @!p1 $0x0  }
0xc9: {  	s8 =	simm.s32 @!p4 $0x80;
	s12 =	sshra.s32 @!p1 s22, $0x2;
	s17 =	simm.s32 @p1 $0x1  }
0xca: {  	p2 =	seq.s32 s25, $0x1;
	p4 =	seq.s32 s26, $0x1;
	s25 =	sadd.s32 @!p1 $0x2C80, s12  }
0xcb: {  	s12 =	sadd.s32 @!p1 $0x5480, s12;
	p1 =	sne.s32 s14, $0xA000;
	_ =	swait.ge @!p4 [sflag:s6], $0x80  }
0xcc: {  	[smem:$0x7FB] =	sst s17;
	s17 =	simm.s32 @!p1 $0x0  }
0xcd: {  	[sflag:s6] =	ssyncset.done @!p4 $0x0;
	s17 =	simm.s32 @p1 $0x1  }
0xce: {  	s23 =	simm.s32 @!p2 $0x1;
	[sflag:s6] =	ssyncadd.s32 @!p4 $0xFFFFFF80;
	[smem:$0x7F2] =	sst s17  }
0xcf: {  	_ =	swait.ge @!p2 [sflag:s23], $0x80  }
0xd0: {  	s17 =	smov.u32 s21;
	s21 =	smov.u32 s11;
	s11 =	sld [smem:$0x7EE]  }
0xd1: {  	_ = 	snop  }
0xd2: {  	[sflag:s23] =	ssyncset.done @!p2 $0x0  }
0xd3: {  	[sflag:s23] =	ssyncadd.s32 @!p2 $0xFFFFFF80;
	s23 =	sld [smem:$0x7EF];
	p1 =	seq.s32 s11, $0x1  }
0xd4: {  	p3 =	por p1, p1  }
0xd5: {  	s11 =	simm.s32 @!p3 $0x0  }
0xd6: {  	s11 =	simm.s32 @p3 $0x1;
	p3 =	seq.s32 s23, $0x1  }
0xd7: {  	s5 =	sadd.s32 @!p0 $0x200, s5;
	p1 =	por p0, p0;
	p0 =	por p3, p3  }
0xd8: {  	[smem:$0x7F7] =	sst s11;
	s11 =	simm.s32 @!p0 $0x0  }
0xd9: {  	s2 =	sadd.s32 $0xA, s3;
	s1 =	sshra.s32 @!p5 s22, $0x2;
	s11 =	simm.s32 @p0 $0x1  }
0xda: {  	s7 =	simm.s32 @!p5 $0x80;
	s10 =	sadd.s32 @!p5 $0x5000, s1;
	[smem:$0x7F1] =	sst s11  }
0xdb: {  	s26 =	sadd.s32 $0xB, s3;
	s13 =	sshra.s32 @!p2 s22, $0x2;
	s11 =	sld [smem:$0x7F0]  }
0xdc: {  	[spmem:s20] =	stream.indirect.scatter.add.f32 @!p5 [tilespmem:s10], [sflag:$0x4], $0x1, s1, s7, $0xb8;
	[tilespmem:$0x7CF8] =	vst v63  }
0xdd: {  	s24 =	sadd.s32 @!p2 $0x5180, s13;
	s13 =	sadd.s32 @!p2 $0x180, s13;
	s1 =	rddreg [dreg:$0xc]  }
0xde: {  	p5 =	sge.u32 s3, s15;
	s7 =	rddreg [dreg:$0xd];
	p0 =	seq.s32 s11, $0x1  }
0xdf: {  	[spmem:s20] =	stream.indirect.scatter.add.f32 @!p0 [tilespmem:s1], [sflag:$0x4], $0x1, s7, s8, $0xb8;
	[tilespmem:$0x7CF8] =	vst v63  }
0xe0: {  	s1 =	sadd.s32 @!p4 $0x5100, s18;
	s7 =	sadd.s32 @!p4 $0x100, s18;
	s8 =	simm.s32 @!p4 $0x80  }
0xe1: {  	[spmem:s20] =	stream.indirect.scatter.add.f32 @!p4 [tilespmem:s1], [sflag:$0x4], $0x1, s7, s8, $0xb8;
	[tilespmem:$0x7CF8] =	vst v63  }
0xe2: {  	s23 =	rddreg [dreg:$0xa];
	s1 =	simm.s32 @!p2 $0x80;
	s7 =	sshra.s32 @!p5 s22, $0x2  }
0xe3: {  	[spmem:s20] =	stream.indirect.scatter.add.f32 @!p2 [tilespmem:s24], [sflag:$0x4], $0x1, s13, s1, $0xb8;
	[tilespmem:$0x7CF8] =	vst v63  }
0xe4: {  	s8 =	simm.s32 @!p5 $0x80;
	s13 =	smov.u32 s4;
	s4 =	smov.u32 s15  }
0xe5: {  	s15 =	smov.u32 s21;
	s1 =	sadd.s32 @!p5 $0x5400, s7;
	s21 =	sld [smem:$0x7FB]  }
0xe6: {  	s7 =	sadd.s32 @!p5 $0x2C00, s7;
	s24 =	rddreg [dreg:$0x9];
	p2 =	sge.u32 s23, s4  }
0xe7: {  	p0 =	sge.u32 s31, s4;
	s31 =	smov.u32 s26;
	s26 =	rddreg [dreg:$0xb]  }
0xe8: {  	[tilespmem:s1], [sflag:$0x1] =	stream.indirect.gather @!p5 [hbm4b:s28+s8], $0x1, s7, s8, $0xb8;
	[tilespmem:$0x7CF8] =	vst v63  }
0xe9: {  	s1 =	sshra.s32 @!p2 s22, $0x2;
	s8 =	simm.s32 @!p0 $0x80;
	p4 =	seq.s32 s21, $0x1  }
0xea: {  	s21 =	smov.u32 s2;
	s2 =	simm.s32 @!p2 $0x80;
	s10 =	simm.s32 @!p4 $0x80  }
0xeb: {  	[tilespmem:s12], [sflag:$0x1] =	stream.indirect.gather @!p4 [hbm4b:s28+s10], $0x1, s25, s10, $0xb8;
	[tilespmem:$0x7CF8] =	vst v63  }
0xec: {  	s7 =	sadd.s32 @!p2 $0x5500, s1;
	s1 =	sadd.s32 @!p2 $0x2D00, s1;
	s10 =	sshra.s32 @!p0 s22, $0x2  }
0xed: {  	[tilespmem:s7], [sflag:$0x1] =	stream.indirect.gather @!p2 [hbm4b:s28+s2], $0x1, s1, s2, $0xb8;
	[tilespmem:$0x7CF8] =	vst v63  }
0xee: {  	s1 =	sadd.s32 @!p0 $0x5580, s10;
	s2 =	sadd.s32 @!p0 $0x2D80, s10;
	s10 =	simm.s32 @!p1 $0x2  }
0xef: {  	[tilespmem:s1], [sflag:$0x1] =	stream.indirect.gather @!p0 [hbm4b:s28+s8], $0x1, s2, s8, $0xb8;
	[tilespmem:$0x7CF8] =	vst v63  }
0xf0: {  	s25 =	rddreg [dreg:$0x8];
	_ =	swait.ge @!p1 [sflag:s10], $0x80  }
0xf1: {  	s18 =	sld [smem:$0x7F1];
	_ =	sdelay $0x1  }
0xf2: {  	s9 =	sadd.s32 $0x3, s3;
	s19 =	sadd.s32 $0x9, s3  }
0xf3: {  	s6 =	smov.u32 s3;
	s8 =	simm.s32 @!p1 $0x0;
	p0 =	seq.s32 s18, $0x1  }
0xf4: {  	s8 =	simm.s32 @p1 $0x1;
	s7 =	simm.s32 @!p0 $0x2;
	p0 =	sge.u32 s6, s4  }
0xf5: {  	s2 =	simm.s32 @!p6 $0x2;
	[smem:$0x7F5] =	sst s8;
	s8 =	simm.s32 @!p0 $0x0  }
0xf6: {  	s12 =	sld [smem:$0x7F7];
	s8 =	simm.s32 @p0 $0x1;
	p0 =	sge.u32 s9, s4  }
0xf7: {  	[sflag:s10] =	ssyncset.done @!p1 $0x0;
	[smem:$0x7F9] =	sst s8;
	s8 =	simm.s32 @!p0 $0x0  }
0xf8: {  	[sflag:s10] =	ssyncadd.s32 @!p1 $0xFFFFFF80;
	p1 =	sge.u32 s19, s4;
	s8 =	simm.s32 @p0 $0x1  }
0xf9: {  	p2 =	seq.s32 s12, $0x1;
	[smem:$0x7FA] =	sst s8;
	s8 =	simm.s32 @!p1 $0x0  }
0xfa: {  	s12 =	simm.s32 @!p6 $0x0;
	_ =	swait.ge @!p6 [sflag:s2], $0x80;
	s8 =	simm.s32 @p1 $0x1  }
0xfb: {  	s12 =	simm.s32 @p6 $0x1;
	[smem:$0x7FB] =	sst s8;
	[sflag:s2] =	ssyncset.done @!p6 $0x0  }
0xfc: {  	s1 =	simm.s32 @!p2 $0x2;
	[smem:$0x7F6] =	sst s12;
	[sflag:s2] =	ssyncadd.s32 @!p6 $0xFFFFFF80  }
0xfd: {  	s23 =	sadd.s32 $0x4, s6;
	s19 =	rddreg [dreg:$0x7];
	_ =	swait.ge @!p2 [sflag:s1], $0x80  }
0xfe: {  	p0 =	sge.u32 s23, s4;
	s23 =	sld [smem:$0x7F1]  }
0xff: {  	s22 =	smov.u32 s24;
	p3 =	por p2, p2  }
0x100: {  	s2 =	smov.u32 s16;
	s16 =	smov.u32 s30;
	[sflag:s1] =	ssyncset.done @!p2 $0x0  }
0x101: {  	s30 =	rddreg [dreg:$0x5];
	[sflag:s1] =	ssyncadd.s32 @!p3 $0xFFFFFF80;
	p3 =	seq.s32 s23, $0x1  }
0x102: {  	s24 =	sadd.s32 $0x1, s6;
	s1 =	rddreg [dreg:$0x6];
	_ =	swait.ge @!p3 [sflag:s7], $0x80  }
0x103: {  	p4 =	sge.u32 s24, s4;
	s10 =	sadd.s32 $0x6, s6;
	s24 =	sld [smem:$0x7F2]  }
0x104: {  	s18 =	sadd.s32 $0x7, s6;
	s8 =	sadd.s32 $0x5, s6;
	p1 =	sge.u32 s19, s4  }
0x105: {  	s6 =	simm.s32 @!p1 $0x1;
	s9 =	simm.s32 @!p1 $0x0;
	p2 =	sge.u32 s18, s4  }
0x106: {  	s9 =	simm.s32 @p1 $0x1;
	s18 =	sshra.s32 @!p1 s22, $0x2;
	p1 =	seq.s32 s24, $0x1  }
.Ltmp1:
0x107: {  	_ = 	snop;
	(pc) =	sbr.rel @p1 .LBB2_4-.Ltmp1, $4  }
0x108: {  	p5 =	sge.u32 s10, s4  }
0x109: {  	s3 =	sadd.s32 $0x8, s3;
	p6 =	por p5, p5  }
0x10a: {  	s19 =	sshra.s32 @!p5 s22, $0x2;
	p5 =	por p2, p2;
	s11 =	simm.s32 @!p2 $0x80  }
0x10b: {  	p2 =	por p3, p3;
	[smem:$0x7F8] =	sst s9;
	[sflag:s7] =	ssyncset.done @!p3 $0x0  }
0x10c: {  	s12 =	sld [smem:$0x7F5];
	_ =	sdelay $0x1  }
0x10d: {  	s14 =	sld [smem:$0x7F6]  }
0x10e: {  	[sflag:s7] =	ssyncadd.s32 @!p2 $0xFFFFFF80;
	s23 =	sld [smem:$0x7F7];
	p1 =	seq.s32 s12, $0x1  }
0x10f: {  	[spmem:s20] =	stream.indirect.scatter.add.f32 @!p1 [tilespmem:s30], [sflag:$0x4], $0x1, s5, s1, $0xb8;
	[tilespmem:$0x7CF8] =	vst v63  }
0x110: {  	p3 =	por p2, p2;
	s24 =	sld [smem:$0x7F9];
	p2 =	seq.s32 s14, $0x1  }
0x111: {  	[spmem:s20] =	stream.indirect.scatter.add.f32 @!p2 [tilespmem:s2], [sflag:$0x4], $0x1, s26, s16, $0xb8;
	[tilespmem:$0x7CF8] =	vst v63  }
0x112: {  	s9 =	sshra.s32 @!p5 s22, $0x2;
	p1 =	seq.s32 s23, $0x1  }
0x113: {  	[spmem:s20] =	stream.indirect.scatter.add.f32 @!p1 [tilespmem:s0], [sflag:$0x4], $0x1, s25, s13, $0xb8;
	[tilespmem:$0x7CF8] =	vst v63  }
0x114: {  	s1 =	sadd.s32 @!p6 $0x2B00, s19;
	p2 =	seq.s32 s24, $0x1;
	s0 =	simm.s32 @!p0 $0x0  }
0x115: {  	p1 =	por p6, p6;
	p6 =	sge.u32 s8, s4;
	s0 =	simm.s32 @p0 $0x1  }
0x116: {  	[spmem:s20] =	stream.indirect.scatter.add.f32 @!p3 [tilespmem:s29], [sflag:$0x4], $0x1, s17, s15, $0xb8;
	[tilespmem:$0x7CF8] =	vst v63  }
0x117: {  	s8 =	simm.s32 @!p0 $0x80;
	[smem:$0x7ED] =	sst s0;
	s0 =	sshra.s32 @!p0 s22, $0x2  }
0x118: {  	s5 =	sshra.s32 @!p6 s22, $0x2;
	s2 =	sadd.s32 @!p0 $0x2A00, s0;
	s7 =	sadd.s32 @!p0 $0x5200, s0  }
0x119: {  	[tilespmem:s7], [sflag:$0x2] =	stream.indirect.gather @!p0 [hbm4b:s28+s8], $0x1, s2, s8, $0xb8;
	[tilespmem:$0x7CF8] =	vst v63  }
0x11a: {  	s12 =	simm.s32 @!p6 $0x80;
	s10 =	sadd.s32 @!p6 $0x5280, s5;
	s2 =	sadd.s32 @!p6 $0x2A80, s5  }
0x11b: {  	[tilespmem:s10], [sflag:$0x2] =	stream.indirect.gather @!p6 [hbm4b:s28+s12], $0x1, s2, s12, $0xb8;
	[tilespmem:$0x7CF8] =	vst v63  }
0x11c: {  	s13 =	sadd.s32 @!p1 $0x5300, s19;
	s14 =	simm.s32 @!p1 $0x80;
	p3 =	por p5, p5  }
0x11d: {  	[tilespmem:s13], [sflag:$0x2] =	stream.indirect.gather @!p1 [hbm4b:s28+s14], $0x1, s1, s14, $0xb8;
	[tilespmem:$0x7CF8] =	vst v63  }
0x11e: {  	s16 =	sadd.s32 @!p3 $0x5380, s9;
	s2 =	simm.s32 @!p2 $0x1;
	s1 =	sadd.s32 @!p3 $0x2B80, s9  }
0x11f: {  	[tilespmem:s16], [sflag:$0x2] =	stream.indirect.gather @!p3 [hbm4b:s28+s11], $0x1, s1, s11, $0xb8;
	[tilespmem:$0x7CF8] =	vst v63  }
0x120: {  	_ =	swait.ge @!p2 [sflag:s2], $0x80  }
0x121: {  	[sflag:s2] =	ssyncset.done @!p2 $0x0  }
0x122: {  	s1 =	simm.s32 @!p4 $0x1;
	[sflag:s2] =	ssyncadd.s32 @!p2 $0xFFFFFF80  }
0x123: {  	_ =	swait.ge @!p4 [sflag:s1], $0x80  }
0x124: {  	s25 =	sld [smem:$0x7F8];
	_ =	sdelay $0x1  }
0x125: {  	[sflag:s1] =	ssyncset.done @!p4 $0x0  }
0x126: {  	p5 =	por p1, p1;
	[sflag:s1] =	ssyncadd.s32 @!p4 $0xFFFFFF80;
	p1 =	seq.s32 s25, $0x1  }
0x127: {  	_ =	swait.ge @!p1 [sflag:s6], $0x80  }
0x128: {  	s26 =	sld [smem:$0x7FA];
	_ =	sdelay $0x2  }
0x129: {  	[sflag:s6] =	ssyncset.done @!p1 $0x0;
	p0 =	seq.s32 s26, $0x1  }
0x12a: {  	[sflag:s6] =	ssyncadd.s32 @!p1 $0xFFFFFF80;
	s1 =	simm.s32 @!p0 $0x1  }
0x12b: {  	_ =	swait.ge @!p0 [sflag:s1], $0x80  }
0x12c: {  	s2 =	sshra.s32 @!p2 s22, $0x2;
	[sflag:s1] =	ssyncset.done @!p0 $0x0  }
0x12d: {  	s6 =	sadd.s32 @!p2 $0x5000, s2;
	[sflag:s1] =	ssyncadd.s32 @!p0 $0xFFFFFF80;
	s1 =	simm.s32 @!p2 $0x80  }
0x12e: {  	[spmem:s20] =	stream.indirect.scatter.add.f32 @!p2 [tilespmem:s6], [sflag:$0x4], $0x1, s2, s1, $0xb8;
	[tilespmem:$0x7CF8] =	vst v63  }
0x12f: {  	s1 =	sshra.s32 @!p4 s22, $0x2  }
0x130: {  	s6 =	simm.s32 @!p4 $0x80;
	s2 =	sadd.s32 @!p4 $0x5080, s1;
	s1 =	sadd.s32 @!p4 $0x80, s1  }
0x131: {  	[spmem:s20] =	stream.indirect.scatter.add.f32 @!p4 [tilespmem:s2], [sflag:$0x4], $0x1, s1, s6, $0xb8;
	[tilespmem:$0x7CF8] =	vst v63  }
0x132: {  	s1 =	sadd.s32 @!p1 $0x5100, s18;
	s2 =	sadd.s32 @!p1 $0x100, s18;
	s6 =	simm.s32 @!p1 $0x80  }
0x133: {  	[spmem:s20] =	stream.indirect.scatter.add.f32 @!p1 [tilespmem:s1], [sflag:$0x4], $0x1, s2, s6, $0xb8;
	[tilespmem:$0x7CF8] =	vst v63  }
0x134: {  	p2 =	sge.u32 s3, s4;
	s1 =	sshra.s32 @!p0 s22, $0x2  }
0x135: {  	s3 =	simm.s32 @!p0 $0x80;
	s2 =	sadd.s32 @!p0 $0x5180, s1;
	s1 =	sadd.s32 @!p0 $0x180, s1  }
0x136: {  	[spmem:s20] =	stream.indirect.scatter.add.f32 @!p0 [tilespmem:s2], [sflag:$0x4], $0x1, s1, s3, $0xb8;
	[tilespmem:$0x7CF8] =	vst v63  }
0x137: {  	s29 =	sld [smem:$0x7FB];
	s1 =	sshra.s32 @!p2 s22, $0x2  }
0x138: {  	s2 =	simm.s32 @!p2 $0x80;
	s3 =	sadd.s32 @!p2 $0x5400, s1;
	s1 =	sadd.s32 @!p2 $0x2C00, s1  }
0x139: {  	[tilespmem:s3], [sflag:$0x1] =	stream.indirect.gather @!p2 [hbm4b:s28+s2], $0x1, s1, s2, $0xb8;
	[tilespmem:$0x7CF8] =	vst v63  }
0x13a: {  	p2 =	seq.s32 s29, $0x1  }
0x13b: {  	p0 =	sge.u32 s21, s4;
	s1 =	sshra.s32 @!p2 s22, $0x2  }
0x13c: {  	s3 =	simm.s32 @!p2 $0x80;
	s2 =	sadd.s32 @!p2 $0x2C80, s1;
	s1 =	sadd.s32 @!p2 $0x5480, s1  }
0x13d: {  	[tilespmem:s1], [sflag:$0x1] =	stream.indirect.gather @!p2 [hbm4b:s28+s3], $0x1, s2, s3, $0xb8;
	[tilespmem:$0x7CF8] =	vst v63  }
0x13e: {  	s30 =	sld [smem:$0x7ED];
	s1 =	sshra.s32 @!p0 s22, $0x2  }
0x13f: {  	s2 =	simm.s32 @!p0 $0x80;
	s3 =	sadd.s32 @!p0 $0x5500, s1;
	s1 =	sadd.s32 @!p0 $0x2D00, s1  }
0x140: {  	[tilespmem:s3], [sflag:$0x1] =	stream.indirect.gather @!p0 [hbm4b:s28+s2], $0x1, s1, s2, $0xb8;
	[tilespmem:$0x7CF8] =	vst v63  }
0x141: {  	p0 =	sge.u32 s31, s4  }
0x142: {  	p1 =	seq.s32 s30, $0x1;
	s1 =	sshra.s32 @!p0 s22, $0x2  }
0x143: {  	s2 =	simm.s32 @!p0 $0x80;
	s3 =	sadd.s32 @!p0 $0x5580, s1;
	s1 =	sadd.s32 @!p0 $0x2D80, s1  }
0x144: {  	[tilespmem:s3], [sflag:$0x1] =	stream.indirect.gather @!p0 [hbm4b:s28+s2], $0x1, s1, s2, $0xb8;
	[tilespmem:$0x7CF8] =	vst v63  }
0x145: {  	p0 =	por p1, p1  }
0x146: {  	s1 =	simm.s32 @!p0 $0x2  }
0x147: {  	_ =	swait.ge @!p0 [sflag:s1], $0x80  }
0x148: {  	[sflag:s1] =	ssyncset.done @!p0 $0x0  }
0x149: {  	[sflag:s1] =	ssyncadd.s32 @!p0 $0xFFFFFF80;
	s1 =	simm.s32 @!p6 $0x2  }
0x14a: {  	_ =	swait.ge @!p6 [sflag:s1], $0x80  }
0x14b: {  	p2 =	por p5, p5;
	[sflag:s1] =	ssyncset.done @!p6 $0x0  }
0x14c: {  	[sflag:s1] =	ssyncadd.s32 @!p6 $0xFFFFFF80;
	s1 =	simm.s32 @!p2 $0x2  }
0x14d: {  	_ =	swait.ge @!p2 [sflag:s1], $0x80  }
0x14e: {  	p4 =	por p3, p3;
	p3 =	por p3, p3;
	[sflag:s1] =	ssyncset.done @!p2 $0x0  }
0x14f: {  	[sflag:s1] =	ssyncadd.s32 @!p2 $0xFFFFFF80;
	s1 =	simm.s32 @!p3 $0x2  }
0x150: {  	_ =	swait.ge @!p3 [sflag:s1], $0x80  }
0x151: {  	[sflag:s1] =	ssyncset.done @!p3 $0x0  }
0x152: {  	s0 =	sadd.s32 @!p1 $0x200, s0;
	s31 =	sld [smem:$0x7F3];
	[sflag:s1] =	ssyncadd.s32 @!p3 $0xFFFFFF80  }
0x153: {  	[spmem:s20] =	stream.indirect.scatter.add.f32 @!p0 [tilespmem:s7], [sflag:$0x4], $0x1, s0, s8, $0xb8;
	[tilespmem:$0x7CF8] =	vst v63  }
0x154: {  	s0 =	sadd.s32 @!p6 $0x280, s5  }
0x155: {  	[spmem:s20] =	stream.indirect.scatter.add.f32 @!p6 [tilespmem:s10], [sflag:$0x4], $0x1, s0, s12, $0xb8;
	[tilespmem:$0x7CF8] =	vst v63  }
0x156: {  	p1 =	seq.s32 s31, $0x1;
	s0 =	sadd.s32 @!p5 $0x300, s19  }
0x157: {  	[spmem:s20] =	stream.indirect.scatter.add.f32 @!p2 [tilespmem:s13], [sflag:$0x4], $0x1, s0, s14, $0xb8;
	[tilespmem:$0x7CF8] =	vst v63  }
0x158: {  	s3 =	simm.s32 @!p1 $0x4;
	s0 =	sadd.s32 @!p4 $0x380, s9  }
0x159: {  	[spmem:s20] =	stream.indirect.scatter.add.f32 @!p3 [tilespmem:s16], [sflag:$0x4], $0x1, s0, s11, $0xb8;
	[tilespmem:$0x7CF8] =	vst v63  }
0x15a: {  	_ =	swait.ge @!p1 [sflag:s3], $0x80  }
0x15b: {  	s0 =	simm.s32 $0x1;
	[sflag:s3] =	ssyncset.done @!p1 $0x0  }
.LBB2_6:
0x15c: {  	s1 =	smov.u32 s0;
	s0 =	sadd.s32 $0x1, s0  }
0x15d: {  	[sflag:s3] =	ssyncadd.s32 @!p1 $0xFFFFFF80;
	p0 =	sne.s32 s0, $0x50  }
.Ltmp2:
0x15e: {  	(pc) =	sbr.rel @p0 .LBB2_6-.Ltmp2, $4  }
0x15f: {  	p1 =	sge.u32 s1, s4  }
0x160: {  	s3 =	simm.s32 @!p1 $0x4  }
0x161: {  	_ =	swait.ge @!p1 [sflag:s3], $0x80  }
0x162: {  	[sflag:s3] =	ssyncset.done @!p1 $0x0  }
0x163: {  	[sflag:s3] =	ssyncadd.s32 @!p1 $0xFFFFFF80  }
0x164: {  	[bflag:$0x0] =	sbarrier.arrive $0xFFFF  }
0x165: {  	s0 =	sld [smem:$0x7FD];
	_ =	sdelay $0x2  }
0x166: {  	p1 =	seq.s32 s0, $0x1  }
0x167: {  	s6 =	rddreg [dreg:$0x11];
	s0 =	sshrl.u32 @!p1 s20, $0x3;
	s1 =	simm.s32 @!p1 $0x1  }
0x168: {  	s2 =	simm.s32 @!p1 $0x20;
	s3 =	simm.s32 @!p1 $0x10;
	s5 =	simm.s32 @!p1 $0x1C05  }
0x169: {  	[hbm:s6@s2], [sflag:s5] =	dma.strided @!p1 [spmem:s0@s3], $0x4F0, s1, $0x10   }
0x16a: {  	s0 =	simm.s32 @!p1 $0x5  }
0x16b: {  	_ =	swait.ge @!p1 [sflag:s0], $0x4F0  }
0x16c: {  	s30 =	rddreg [dreg:$0x14]  }
0x16d: {  	s31 =	rddreg [dreg:$0x12];
	s3 =	sadd.s32 $0x1, s30  }
0x16e: {  	p0 =	sne.s32 s3, s31  }
.Ltmp3:
0x16f: {  	_ = 	snop;
	(pc) =	sbr.rel @p0 .LBB2_1-.Ltmp3, $3  }
0x170: {  	_ =	sdelay $0x1  }
0x171: {  	[sflag:s0] =	ssyncset.done @!p1 $0x0  }
0x172: {  	s2 =	rddreg [dreg:$0x13];
	[sflag:s0] =	ssyncadd.s32 @!p1 $0xFFFFFB10  }
0x173: {  	_ =	sfence.sel $0x180000  }
0x174: {  	[bflag:$0x0] =	sbarrier.arrive $0xFFFF  }
0x175: {  	_ =	strace $0x90000047  }
0x176: {  	[bflag:$0x2] =	sbarrier.arrive $0xFFFF  }
0x177: {  	s1 =	sld [smem:$0x7FD];
	_ =	sdelay $0x2  }
0x178: {  	s0 =	rddreg [dreg:$0x4];
	p0 =	seq.s32 s1, $0x1  }
0x179: {  	s0 =	sadd.s32 @!p0 $0x100000, s0  }
0x17a: {  	[sflag:s0] =	ssyncadd.tile.s32 @!p0 $0x1;
	_ =	shalt  }
.Lfunc_end2:
_tile_overlayer_lowered:
.L_overlay_start_2:
0x17b: {  	(tag) =	ssettag $0x2  }
0x17c: {  	s0 =	rddreg [dreg:$0x0];
	s2 =	stileid.u32  }
0x17d: {  	s1 =	rddreg [dreg:$0x1];
	p0 =	sne.s32 s2, $0x0  }
0x17e: {  	s3 =	rddreg [dreg:$0x2];
	[bflag:$0x3] =	sbarrier.arrive $0xFFFF;
	s2 =	simm.s32 @!p0 $0x1C05  }
0x17f: {  	[timem:s3], [sflag:s2] =	dma.local @!p0 [hbm:s0], s1  }
0x180: {  	s0 =	simm.s32 @!p0 $0x5  }
0x181: {  	_ =	swait.ge @!p0 [sflag:s0], s1  }
0x182: {  	s1 =	ssub.s32 @!p0 $0x0, s1;
	[sflag:s0] =	ssyncset.done @!p0 $0x0  }
0x183: {  	[sflag:s0] =	ssyncadd.s32 @!p0 s1  }
0x184: {  	[bflag:$0x3] =	sbarrier.arrive $0xFFFF  }
0x185: {  	_ =	shalt  }

</sc_bundles>
